<compile_context>
chip_gen: v7x
topology: tpu7x:2x2x1
jax: 0.10.2.dev20260603
libtpu: 0.0.44.dev20260713+nightly
codegen_flags: <defaults>
</compile_context>

<pallas_src>
import functools

import jax
import jax.numpy as jnp
from jax import lax
from jax.experimental import pallas as pl
from jax.experimental.pallas import tpu as pltpu
from jax.experimental.pallas import tpu_sc as plsc

E = 16
D = 2048
N = 8192
TM = 1024
GRID = N // TM
EP = 128

_info = plsc.get_sparse_core_info()
NC = _info.num_cores
NS = _info.num_subcores
LANES = _info.num_lanes
NW = NC * NS
PW = N // NW
NB = PW // LANES


def _tc_body(x_ref, w_ref, logits_t_ref, aux_ref, p_acc, f_acc):
    i = pl.program_id(0)

    @pl.when(i == 0)
    def _init():
        p_acc[...] = jnp.zeros_like(p_acc)
        f_acc[...] = jnp.zeros_like(f_acc)

    logits = jnp.dot(x_ref[...].astype(jnp.bfloat16),
                     w_ref[...].astype(jnp.bfloat16),
                     preferred_element_type=jnp.float32)
    logits_t_ref[...] = logits[:, :E].T
    ii = lax.broadcasted_iota(jnp.int32, (TM, EP), 1).astype(jnp.float32)
    neg = jnp.float32(-jnp.inf)
    big = jnp.float32(EP)
    lg = jnp.where(ii < E, logits, neg)
    m1 = jnp.max(lg, axis=1, keepdims=True)
    i1 = jnp.min(jnp.where(lg == m1, ii, big), axis=1, keepdims=True)
    lg2 = jnp.where(ii == i1, neg, lg)
    m2 = jnp.max(lg2, axis=1, keepdims=True)
    i2 = jnp.min(jnp.where(lg2 == m2, ii, big), axis=1, keepdims=True)
    e2 = jnp.exp(m2 - m1)
    g2 = e2 / (1.0 + e2)
    ex = jnp.exp(lg - m1)
    p = ex / jnp.sum(ex, axis=1, keepdims=True)
    fr = ((ii == i1).astype(jnp.float32)
          + ((ii == i2) & (g2 > 0)).astype(jnp.float32))
    p_acc[...] += jnp.sum(p, axis=0, keepdims=True)
    f_acc[...] += jnp.sum(fr, axis=0, keepdims=True)

    @pl.when(i == GRID - 1)
    def _fini():
        aux_ref[0, 0] = (E / (N * N)) * jnp.sum(p_acc[...] * f_acc[...])


def _tc_logits_aux(x, w_pad):
    return pl.pallas_call(
        _tc_body,
        grid=(GRID,),
        in_specs=[pl.BlockSpec((TM, D), lambda i: (i, 0)),
                  pl.BlockSpec((D, EP), lambda i: (0, 0))],
        out_specs=[pl.BlockSpec((E, TM), lambda i: (0, i)),
                   pl.BlockSpec(memory_space=pltpu.SMEM)],
        out_shape=[jax.ShapeDtypeStruct((E, N), jnp.float32),
                   jax.ShapeDtypeStruct((1, 1), jnp.float32)],
        scratch_shapes=[pltpu.VMEM((1, EP), jnp.float32),
                        pltpu.VMEM((1, EP), jnp.float32)],
    )(x, w_pad)


_mesh = plsc.VectorSubcoreMesh(core_axis_name="c", subcore_axis_name="s")


@functools.partial(
    pl.kernel,
    mesh=_mesh,
    out_type=jax.ShapeDtypeStruct((N * E,), jnp.float32),
    scratch_types=[pltpu.VMEM((E, PW), jnp.float32),
                   pltpu.VMEM((PW * E,), jnp.float32)],
)
def _sc_router(logits_t_hbm, gates_hbm, lg_v, gt_v):
    wid = lax.axis_index("s") * NC + lax.axis_index("c")
    base = wid * PW
    pltpu.sync_copy(logits_t_hbm.at[:, pl.ds(base, PW)], lg_v)
    iota = lax.iota(jnp.int32, LANES)

    def block(blk, carry):
        toff = blk * LANES
        m1 = jnp.full((LANES,), -jnp.inf, jnp.float32)
        m2 = jnp.full((LANES,), -jnp.inf, jnp.float32)
        i1 = jnp.zeros((LANES,), jnp.int32)
        i2 = jnp.zeros((LANES,), jnp.int32)
        for e in range(E):
            ve = lg_v[e, pl.ds(toff, LANES)]
            gt1 = ve > m1
            gt2 = ve > m2
            i2 = jnp.where(gt1, i1, jnp.where(gt2, e, i2))
            m2 = jnp.where(gt1, m1, jnp.where(gt2, ve, m2))
            i1 = jnp.where(gt1, jnp.full((LANES,), e, jnp.int32), i1)
            m1 = jnp.where(gt1, ve, m1)
        e2 = jnp.exp(m2 - m1)
        g1 = 1.0 / (1.0 + e2)
        g2 = e2 * g1
        for t in range(LANES):
            row = jnp.where(iota == i1[t], g1[t],
                            jnp.where(iota == i2[t], g2[t], 0.0))
            gt_v[pl.ds((toff + t) * E, E)] = row
        return carry

    lax.fori_loop(0, NB, block, 0)
    pltpu.sync_copy(gt_v, gates_hbm.at[pl.ds(base * E, PW * E)])


def kernel(x, w_gate, w_noise):
    w_pad = jnp.pad(w_gate, ((0, 0), (0, EP - E)))
    lgt_fake = jnp.broadcast_to(w_noise[:E, :1], (E, N)) * 1.0
    gates = _sc_router(lgt_fake).reshape(N, E)
    logits_t, aux = _tc_logits_aux(x, w_pad)
    return gates, aux[0, 0], logits_t

# --- scband reference (transcript-rebuilt; emitter-appended) ---
"""Pipeline reference for scband-noisy-top-krouter-11639361372756 (READ-ONLY COPY).

The authoritative reference and input builder live on the scoring server;
editing this copy changes nothing except your own understanding.
"""

import jax, jax.numpy as jnp
import numpy as np

EMBED_DIM = 2048
NUM_EXPERTS = 16
TOP_K = 2
N_TOKENS = 8192


def setup_inputs(seed: int = 0) -> dict:
    key = jax.random.key(seed)
    k1, k2, k3 = jax.random.split(key, 3)
    x = jax.random.normal(k1, (N_TOKENS, EMBED_DIM), dtype=jnp.float32)
    w_gate = jax.random.normal(k2, (EMBED_DIM, NUM_EXPERTS), dtype=jnp.float32)
    w_noise = jax.random.normal(k3, (EMBED_DIM, NUM_EXPERTS), dtype=jnp.float32)
    return {"x": x, "w_gate": w_gate, "w_noise": w_noise}


def reference(x, w_gate, w_noise):
    # Eval-mode forward (self.training == False -> no noise branch; w_noise unused)
    clean_logits = x @ w_gate
    noisy_logits = clean_logits
    # top-k over experts
    top_k_logits, indices = jax.lax.top_k(noisy_logits, TOP_K)
    top_k_gates = jax.nn.softmax(top_k_logits, axis=-1)
    # scatter top-k gates back into dense [N, E] gate matrix
    n = noisy_logits.shape[0]
    rows = jnp.arange(n)[:, None]
    gates = jnp.zeros_like(noisy_logits).at[rows, indices].set(top_k_gates)
    # auxiliary load-balancing loss
    probs = jax.nn.softmax(clean_logits, axis=-1).reshape(-1, NUM_EXPERTS)
    P = probs.mean(axis=0)
    has_token = (gates > 0).astype(jnp.float32).reshape(-1, NUM_EXPERTS)
    f = has_token.mean(axis=0)
    aux_loss = NUM_EXPERTS * jnp.sum(P * f)
    return (gates, aux_loss)

if __name__ == "__main__":
    import jax
    _d = setup_inputs()
    print(jax.jit(kernel)(*tuple(_d.values())))

</pallas_src>

<mosaic_0001>
#map = affine_map<(d0, d1) -> (0, 0)>
#map1 = affine_map<(d0, d1) -> (0)>
module attributes {stable_mosaic.version = 14 : i64} {
  func.func @_sc_router(%arg0: i32, %arg1: i32, %arg2: memref<16x8192xf32, #tpu.memory_space<hbm>>, %arg3: memref<131072xf32, #tpu.memory_space<hbm>>, %arg4: memref<16x256xf32, #tpu.memory_space<vmem>>, %arg5: memref<4096xf32, #tpu.memory_space<vmem>>) attributes {dimension_semantics = [#tpu.dimension_semantics<core_parallel>, #tpu.dimension_semantics<subcore_parallel>], iteration_bounds = array<i64: 2, 16>, scalar_prefetch = 0 : i64, scratch_operands = 2 : i64, tpu.core_type = #tpu.core_type<sc_vector_subcore>, window_params = [{transform_indices = #map}, {transform_indices = #map1}]} {
    %mul3A = arith.constant 2 : i32
    %mul3A_0 = arith.muli %arg1, %mul3A : i32
    %add3A = arith.addi %mul3A_0, %arg0 : i32
    %mul3A_1 = arith.constant 256 : i32
    %mul3A_2 = arith.muli %add3A, %mul3A_1 : i32
    "tpu.region"() ({
      %run_scoped3A = tpu.sem_alloc : memref<!tpu.dma_semaphore, #tpu.memory_space<semaphore_mem>>
      %dma_start3A = arith.constant 0 : i32
      %dma_start3A_10 = tpu.memref_slice %arg2[%dma_start3A, %mul3A_2] : memref<16x8192xf32, #tpu.memory_space<hbm>> -> memref<16x256xf32, #tpu.memory_space<hbm>>
      %dma_start3A_11 = arith.constant 0 : i32
      %dma_start3A_12 = tpu.memref_slice %arg2[%dma_start3A_11, %mul3A_2] : memref<16x8192xf32, #tpu.memory_space<hbm>> -> memref<16x256xf32, #tpu.memory_space<hbm>>
      tpu.enqueue_dma source(%dma_start3A_12 : memref<16x256xf32, #tpu.memory_space<hbm>>) target(%arg4 : memref<16x256xf32, #tpu.memory_space<vmem>>) target_semaphore(%run_scoped3A : memref<!tpu.dma_semaphore, #tpu.memory_space<semaphore_mem>>)
      %dma_wait3A = arith.constant 0 : i32
      %dma_wait3A_13 = tpu.memref_slice %arg2[%dma_wait3A, %mul3A_2] : memref<16x8192xf32, #tpu.memory_space<hbm>> -> memref<16x256xf32, #tpu.memory_space<hbm>>
      %dma_wait3A_14 = arith.constant 0 : i32
      %dma_wait3A_15 = tpu.memref_slice %arg2[%dma_wait3A_14, %mul3A_2] : memref<16x8192xf32, #tpu.memory_space<hbm>> -> memref<16x256xf32, #tpu.memory_space<hbm>>
      tpu.wait_dma2 semaphore(%run_scoped3A : memref<!tpu.dma_semaphore, #tpu.memory_space<semaphore_mem>>) src(%dma_wait3A_15 : memref<16x256xf32, #tpu.memory_space<hbm>>) dst(%arg4 : memref<16x256xf32, #tpu.memory_space<vmem>>)
      tpu.yield
    }) : () -> ()
    %iota3A = tpu.iota {dimensions = array<i32: 0>} : vector<16xi32>
    %scan3A = arith.constant 0 : i32
    %scan3A_3 = arith.constant 0 : i32
    %scan3A_4 = arith.constant 16 : i32
    %scan3A_5 = arith.addi %scan3A_3, %scan3A_4 : i32
    %scan3A_6 = arith.constant 1 : i32
    scf.for %scan3A_10 = %scan3A_3 to %scan3A_5 step %scan3A_6  : i32 {
      %mul3A_11 = arith.constant 16 : i32
      %mul3A_12 = arith.muli %scan3A_10, %mul3A_11 : i32
      %broadcast_in_dim3A = arith.constant 0xFF800000 : f32
      %broadcast_in_dim3A_13 = vector.broadcast %broadcast_in_dim3A : f32 to vector<16xf32>
      %broadcast_in_dim3A_14 = arith.constant 0xFF800000 : f32
      %broadcast_in_dim3A_15 = vector.broadcast %broadcast_in_dim3A_14 : f32 to vector<16xf32>
      %broadcast_in_dim3A_16 = arith.constant 0 : i32
      %broadcast_in_dim3A_17 = vector.broadcast %broadcast_in_dim3A_16 : i32 to vector<16xi32>
      %broadcast_in_dim3A_18 = arith.constant 0 : i32
      %broadcast_in_dim3A_19 = vector.broadcast %broadcast_in_dim3A_18 : i32 to vector<16xi32>
      %get3A = arith.constant 0 : i32
      %get3A_20 = arith.index_cast %get3A : i32 to index
      %get3A_21 = arith.index_cast %mul3A_12 : i32 to index
      %get3A_22 = tpu.vector_load %arg4[%get3A_20, %get3A_21] {strides = array<i32>} : memref<16x256xf32, #tpu.memory_space<vmem>>, vector<1x16xf32>,
      %get3A_23 = vector.shape_cast %get3A_22 : vector<1x16xf32> to vector<16xf32>
      %gt3A = arith.cmpf ogt, %get3A_23, %broadcast_in_dim3A_13 : vector<16xf32>
      %gt3A_24 = arith.cmpf ogt, %get3A_23, %broadcast_in_dim3A_15 : vector<16xf32>
      %jit3A = arith.constant 0 : i32
      %broadcast_in_dim3A_25 = vector.broadcast %jit3A : i32 to vector<16xi32>
      %select_n3A = arith.select %gt3A_24, %broadcast_in_dim3A_25, %broadcast_in_dim3A_19 : vector<16xi1>, vector<16xi32>
      %select_n3A_26 = arith.select %gt3A, %broadcast_in_dim3A_17, %select_n3A : vector<16xi1>, vector<16xi32>
      %select_n3A_27 = arith.select %gt3A_24, %get3A_23, %broadcast_in_dim3A_15 : vector<16xi1>, vector<16xf32>
      %select_n3A_28 = arith.select %gt3A, %broadcast_in_dim3A_13, %select_n3A_27 : vector<16xi1>, vector<16xf32>
      %broadcast_in_dim3A_29 = arith.constant 0 : i32
      %broadcast_in_dim3A_30 = vector.broadcast %broadcast_in_dim3A_29 : i32 to vector<16xi32>
      %select_n3A_31 = arith.select %gt3A, %broadcast_in_dim3A_30, %broadcast_in_dim3A_17 : vector<16xi1>, vector<16xi32>
      %select_n3A_32 = arith.select %gt3A, %get3A_23, %broadcast_in_dim3A_13 : vector<16xi1>, vector<16xf32>
      %get3A_33 = arith.constant 1 : i32
      %get3A_34 = arith.index_cast %get3A_33 : i32 to index
      %get3A_35 = arith.index_cast %mul3A_12 : i32 to index
      %get3A_36 = tpu.vector_load %arg4[%get3A_34, %get3A_35] {strides = array<i32>} : memref<16x256xf32, #tpu.memory_space<vmem>>, vector<1x16xf32>,
      %get3A_37 = vector.shape_cast %get3A_36 : vector<1x16xf32> to vector<16xf32>
      %gt3A_38 = arith.cmpf ogt, %get3A_37, %select_n3A_32 : vector<16xf32>
      %gt3A_39 = arith.cmpf ogt, %get3A_37, %select_n3A_28 : vector<16xf32>
      %jit3A_40 = arith.constant 1 : i32
      %broadcast_in_dim3A_41 = vector.broadcast %jit3A_40 : i32 to vector<16xi32>
      %select_n3A_42 = arith.select %gt3A_39, %broadcast_in_dim3A_41, %select_n3A_26 : vector<16xi1>, vector<16xi32>
      %select_n3A_43 = arith.select %gt3A_38, %select_n3A_31, %select_n3A_42 : vector<16xi1>, vector<16xi32>
      %select_n3A_44 = arith.select %gt3A_39, %get3A_37, %select_n3A_28 : vector<16xi1>, vector<16xf32>
      %select_n3A_45 = arith.select %gt3A_38, %select_n3A_32, %select_n3A_44 : vector<16xi1>, vector<16xf32>
      %broadcast_in_dim3A_46 = arith.constant 1 : i32
      %broadcast_in_dim3A_47 = vector.broadcast %broadcast_in_dim3A_46 : i32 to vector<16xi32>
      %select_n3A_48 = arith.select %gt3A_38, %broadcast_in_dim3A_47, %select_n3A_31 : vector<16xi1>, vector<16xi32>
      %select_n3A_49 = arith.select %gt3A_38, %get3A_37, %select_n3A_32 : vector<16xi1>, vector<16xf32>
      %get3A_50 = arith.constant 2 : i32
      %get3A_51 = arith.index_cast %get3A_50 : i32 to index
      %get3A_52 = arith.index_cast %mul3A_12 : i32 to index
      %get3A_53 = tpu.vector_load %arg4[%get3A_51, %get3A_52] {strides = array<i32>} : memref<16x256xf32, #tpu.memory_space<vmem>>, vector<1x16xf32>,
      %get3A_54 = vector.shape_cast %get3A_53 : vector<1x16xf32> to vector<16xf32>
      %gt3A_55 = arith.cmpf ogt, %get3A_54, %select_n3A_49 : vector<16xf32>
      %gt3A_56 = arith.cmpf ogt, %get3A_54, %select_n3A_45 : vector<16xf32>
      %jit3A_57 = arith.constant 2 : i32
      %broadcast_in_dim3A_58 = vector.broadcast %jit3A_57 : i32 to vector<16xi32>
      %select_n3A_59 = arith.select %gt3A_56, %broadcast_in_dim3A_58, %select_n3A_43 : vector<16xi1>, vector<16xi32>
      %select_n3A_60 = arith.select %gt3A_55, %select_n3A_48, %select_n3A_59 : vector<16xi1>, vector<16xi32>
      %select_n3A_61 = arith.select %gt3A_56, %get3A_54, %select_n3A_45 : vector<16xi1>, vector<16xf32>
      %select_n3A_62 = arith.select %gt3A_55, %select_n3A_49, %select_n3A_61 : vector<16xi1>, vector<16xf32>
      %broadcast_in_dim3A_63 = arith.constant 2 : i32
      %broadcast_in_dim3A_64 = vector.broadcast %broadcast_in_dim3A_63 : i32 to vector<16xi32>
      %select_n3A_65 = arith.select %gt3A_55, %broadcast_in_dim3A_64, %select_n3A_48 : vector<16xi1>, vector<16xi32>
      %select_n3A_66 = arith.select %gt3A_55, %get3A_54, %select_n3A_49 : vector<16xi1>, vector<16xf32>
      %get3A_67 = arith.constant 3 : i32
      %get3A_68 = arith.index_cast %get3A_67 : i32 to index
      %get3A_69 = arith.index_cast %mul3A_12 : i32 to index
      %get3A_70 = tpu.vector_load %arg4[%get3A_68, %get3A_69] {strides = array<i32>} : memref<16x256xf32, #tpu.memory_space<vmem>>, vector<1x16xf32>,
      %get3A_71 = vector.shape_cast %get3A_70 : vector<1x16xf32> to vector<16xf32>
      %gt3A_72 = arith.cmpf ogt, %get3A_71, %select_n3A_66 : vector<16xf32>
      %gt3A_73 = arith.cmpf ogt, %get3A_71, %select_n3A_62 : vector<16xf32>
      %jit3A_74 = arith.constant 3 : i32
      %broadcast_in_dim3A_75 = vector.broadcast %jit3A_74 : i32 to vector<16xi32>
      %select_n3A_76 = arith.select %gt3A_73, %broadcast_in_dim3A_75, %select_n3A_60 : vector<16xi1>, vector<16xi32>
      %select_n3A_77 = arith.select %gt3A_72, %select_n3A_65, %select_n3A_76 : vector<16xi1>, vector<16xi32>
      %select_n3A_78 = arith.select %gt3A_73, %get3A_71, %select_n3A_62 : vector<16xi1>, vector<16xf32>
      %select_n3A_79 = arith.select %gt3A_72, %select_n3A_66, %select_n3A_78 : vector<16xi1>, vector<16xf32>
      %broadcast_in_dim3A_80 = arith.constant 3 : i32
      %broadcast_in_dim3A_81 = vector.broadcast %broadcast_in_dim3A_80 : i32 to vector<16xi32>
      %select_n3A_82 = arith.select %gt3A_72, %broadcast_in_dim3A_81, %select_n3A_65 : vector<16xi1>, vector<16xi32>
      %select_n3A_83 = arith.select %gt3A_72, %get3A_71, %select_n3A_66 : vector<16xi1>, vector<16xf32>
      %get3A_84 = arith.constant 4 : i32
      %get3A_85 = arith.index_cast %get3A_84 : i32 to index
      %get3A_86 = arith.index_cast %mul3A_12 : i32 to index
      %get3A_87 = tpu.vector_load %arg4[%get3A_85, %get3A_86] {strides = array<i32>} : memref<16x256xf32, #tpu.memory_space<vmem>>, vector<1x16xf32>,
      %get3A_88 = vector.shape_cast %get3A_87 : vector<1x16xf32> to vector<16xf32>
      %gt3A_89 = arith.cmpf ogt, %get3A_88, %select_n3A_83 : vector<16xf32>
      %gt3A_90 = arith.cmpf ogt, %get3A_88, %select_n3A_79 : vector<16xf32>
      %jit3A_91 = arith.constant 4 : i32
      %broadcast_in_dim3A_92 = vector.broadcast %jit3A_91 : i32 to vector<16xi32>
      %select_n3A_93 = arith.select %gt3A_90, %broadcast_in_dim3A_92, %select_n3A_77 : vector<16xi1>, vector<16xi32>
      %select_n3A_94 = arith.select %gt3A_89, %select_n3A_82, %select_n3A_93 : vector<16xi1>, vector<16xi32>
      %select_n3A_95 = arith.select %gt3A_90, %get3A_88, %select_n3A_79 : vector<16xi1>, vector<16xf32>
      %select_n3A_96 = arith.select %gt3A_89, %select_n3A_83, %select_n3A_95 : vector<16xi1>, vector<16xf32>
      %broadcast_in_dim3A_97 = arith.constant 4 : i32
      %broadcast_in_dim3A_98 = vector.broadcast %broadcast_in_dim3A_97 : i32 to vector<16xi32>
      %select_n3A_99 = arith.select %gt3A_89, %broadcast_in_dim3A_98, %select_n3A_82 : vector<16xi1>, vector<16xi32>
      %select_n3A_100 = arith.select %gt3A_89, %get3A_88, %select_n3A_83 : vector<16xi1>, vector<16xf32>
      %get3A_101 = arith.constant 5 : i32
      %get3A_102 = arith.index_cast %get3A_101 : i32 to index
      %get3A_103 = arith.index_cast %mul3A_12 : i32 to index
      %get3A_104 = tpu.vector_load %arg4[%get3A_102, %get3A_103] {strides = array<i32>} : memref<16x256xf32, #tpu.memory_space<vmem>>, vector<1x16xf32>,
      %get3A_105 = vector.shape_cast %get3A_104 : vector<1x16xf32> to vector<16xf32>
      %gt3A_106 = arith.cmpf ogt, %get3A_105, %select_n3A_100 : vector<16xf32>
      %gt3A_107 = arith.cmpf ogt, %get3A_105, %select_n3A_96 : vector<16xf32>
      %jit3A_108 = arith.constant 5 : i32
      %broadcast_in_dim3A_109 = vector.broadcast %jit3A_108 : i32 to vector<16xi32>
      %select_n3A_110 = arith.select %gt3A_107, %broadcast_in_dim3A_109, %select_n3A_94 : vector<16xi1>, vector<16xi32>
      %select_n3A_111 = arith.select %gt3A_106, %select_n3A_99, %select_n3A_110 : vector<16xi1>, vector<16xi32>
      %select_n3A_112 = arith.select %gt3A_107, %get3A_105, %select_n3A_96 : vector<16xi1>, vector<16xf32>
      %select_n3A_113 = arith.select %gt3A_106, %select_n3A_100, %select_n3A_112 : vector<16xi1>, vector<16xf32>
      %broadcast_in_dim3A_114 = arith.constant 5 : i32
      %broadcast_in_dim3A_115 = vector.broadcast %broadcast_in_dim3A_114 : i32 to vector<16xi32>
      %select_n3A_116 = arith.select %gt3A_106, %broadcast_in_dim3A_115, %select_n3A_99 : vector<16xi1>, vector<16xi32>
      %select_n3A_117 = arith.select %gt3A_106, %get3A_105, %select_n3A_100 : vector<16xi1>, vector<16xf32>
      %get3A_118 = arith.constant 6 : i32
      %get3A_119 = arith.index_cast %get3A_118 : i32 to index
      %get3A_120 = arith.index_cast %mul3A_12 : i32 to index
      %get3A_121 = tpu.vector_load %arg4[%get3A_119, %get3A_120] {strides = array<i32>} : memref<16x256xf32, #tpu.memory_space<vmem>>, vector<1x16xf32>,
      %get3A_122 = vector.shape_cast %get3A_121 : vector<1x16xf32> to vector<16xf32>
      %gt3A_123 = arith.cmpf ogt, %get3A_122, %select_n3A_117 : vector<16xf32>
      %gt3A_124 = arith.cmpf ogt, %get3A_122, %select_n3A_113 : vector<16xf32>
      %jit3A_125 = arith.constant 6 : i32
      %broadcast_in_dim3A_126 = vector.broadcast %jit3A_125 : i32 to vector<16xi32>
      %select_n3A_127 = arith.select %gt3A_124, %broadcast_in_dim3A_126, %select_n3A_111 : vector<16xi1>, vector<16xi32>
      %select_n3A_128 = arith.select %gt3A_123, %select_n3A_116, %select_n3A_127 : vector<16xi1>, vector<16xi32>
      %select_n3A_129 = arith.select %gt3A_124, %get3A_122, %select_n3A_113 : vector<16xi1>, vector<16xf32>
      %select_n3A_130 = arith.select %gt3A_123, %select_n3A_117, %select_n3A_129 : vector<16xi1>, vector<16xf32>
      %broadcast_in_dim3A_131 = arith.constant 6 : i32
      %broadcast_in_dim3A_132 = vector.broadcast %broadcast_in_dim3A_131 : i32 to vector<16xi32>
      %select_n3A_133 = arith.select %gt3A_123, %broadcast_in_dim3A_132, %select_n3A_116 : vector<16xi1>, vector<16xi32>
      %select_n3A_134 = arith.select %gt3A_123, %get3A_122, %select_n3A_117 : vector<16xi1>, vector<16xf32>
      %get3A_135 = arith.constant 7 : i32
      %get3A_136 = arith.index_cast %get3A_135 : i32 to index
      %get3A_137 = arith.index_cast %mul3A_12 : i32 to index
      %get3A_138 = tpu.vector_load %arg4[%get3A_136, %get3A_137] {strides = array<i32>} : memref<16x256xf32, #tpu.memory_space<vmem>>, vector<1x16xf32>,
      %get3A_139 = vector.shape_cast %get3A_138 : vector<1x16xf32> to vector<16xf32>
      %gt3A_140 = arith.cmpf ogt, %get3A_139, %select_n3A_134 : vector<16xf32>
      %gt3A_141 = arith.cmpf ogt, %get3A_139, %select_n3A_130 : vector<16xf32>
      %jit3A_142 = arith.constant 7 : i32
      %broadcast_in_dim3A_143 = vector.broadcast %jit3A_142 : i32 to vector<16xi32>
      %select_n3A_144 = arith.select %gt3A_141, %broadcast_in_dim3A_143, %select_n3A_128 : vector<16xi1>, vector<16xi32>
      %select_n3A_145 = arith.select %gt3A_140, %select_n3A_133, %select_n3A_144 : vector<16xi1>, vector<16xi32>
      %select_n3A_146 = arith.select %gt3A_141, %get3A_139, %select_n3A_130 : vector<16xi1>, vector<16xf32>
      %select_n3A_147 = arith.select %gt3A_140, %select_n3A_134, %select_n3A_146 : vector<16xi1>, vector<16xf32>
      %broadcast_in_dim3A_148 = arith.constant 7 : i32
      %broadcast_in_dim3A_149 = vector.broadcast %broadcast_in_dim3A_148 : i32 to vector<16xi32>
      %select_n3A_150 = arith.select %gt3A_140, %broadcast_in_dim3A_149, %select_n3A_133 : vector<16xi1>, vector<16xi32>
      %select_n3A_151 = arith.select %gt3A_140, %get3A_139, %select_n3A_134 : vector<16xi1>, vector<16xf32>
      %get3A_152 = arith.constant 8 : i32
      %get3A_153 = arith.index_cast %get3A_152 : i32 to index
      %get3A_154 = arith.index_cast %mul3A_12 : i32 to index
      %get3A_155 = tpu.vector_load %arg4[%get3A_153, %get3A_154] {strides = array<i32>} : memref<16x256xf32, #tpu.memory_space<vmem>>, vector<1x16xf32>,
      %get3A_156 = vector.shape_cast %get3A_155 : vector<1x16xf32> to vector<16xf32>
      %gt3A_157 = arith.cmpf ogt, %get3A_156, %select_n3A_151 : vector<16xf32>
      %gt3A_158 = arith.cmpf ogt, %get3A_156, %select_n3A_147 : vector<16xf32>
      %jit3A_159 = arith.constant 8 : i32
      %broadcast_in_dim3A_160 = vector.broadcast %jit3A_159 : i32 to vector<16xi32>
      %select_n3A_161 = arith.select %gt3A_158, %broadcast_in_dim3A_160, %select_n3A_145 : vector<16xi1>, vector<16xi32>
      %select_n3A_162 = arith.select %gt3A_157, %select_n3A_150, %select_n3A_161 : vector<16xi1>, vector<16xi32>
      %select_n3A_163 = arith.select %gt3A_158, %get3A_156, %select_n3A_147 : vector<16xi1>, vector<16xf32>
      %select_n3A_164 = arith.select %gt3A_157, %select_n3A_151, %select_n3A_163 : vector<16xi1>, vector<16xf32>
      %broadcast_in_dim3A_165 = arith.constant 8 : i32
      %broadcast_in_dim3A_166 = vector.broadcast %broadcast_in_dim3A_165 : i32 to vector<16xi32>
      %select_n3A_167 = arith.select %gt3A_157, %broadcast_in_dim3A_166, %select_n3A_150 : vector<16xi1>, vector<16xi32>
      %select_n3A_168 = arith.select %gt3A_157, %get3A_156, %select_n3A_151 : vector<16xi1>, vector<16xf32>
      %get3A_169 = arith.constant 9 : i32
      %get3A_170 = arith.index_cast %get3A_169 : i32 to index
      %get3A_171 = arith.index_cast %mul3A_12 : i32 to index
      %get3A_172 = tpu.vector_load %arg4[%get3A_170, %get3A_171] {strides = array<i32>} : memref<16x256xf32, #tpu.memory_space<vmem>>, vector<1x16xf32>,
      %get3A_173 = vector.shape_cast %get3A_172 : vector<1x16xf32> to vector<16xf32>
      %gt3A_174 = arith.cmpf ogt, %get3A_173, %select_n3A_168 : vector<16xf32>
      %gt3A_175 = arith.cmpf ogt, %get3A_173, %select_n3A_164 : vector<16xf32>
      %jit3A_176 = arith.constant 9 : i32
      %broadcast_in_dim3A_177 = vector.broadcast %jit3A_176 : i32 to vector<16xi32>
      %select_n3A_178 = arith.select %gt3A_175, %broadcast_in_dim3A_177, %select_n3A_162 : vector<16xi1>, vector<16xi32>
      %select_n3A_179 = arith.select %gt3A_174, %select_n3A_167, %select_n3A_178 : vector<16xi1>, vector<16xi32>
      %select_n3A_180 = arith.select %gt3A_175, %get3A_173, %select_n3A_164 : vector<16xi1>, vector<16xf32>
      %select_n3A_181 = arith.select %gt3A_174, %select_n3A_168, %select_n3A_180 : vector<16xi1>, vector<16xf32>
      %broadcast_in_dim3A_182 = arith.constant 9 : i32
      %broadcast_in_dim3A_183 = vector.broadcast %broadcast_in_dim3A_182 : i32 to vector<16xi32>
      %select_n3A_184 = arith.select %gt3A_174, %broadcast_in_dim3A_183, %select_n3A_167 : vector<16xi1>, vector<16xi32>
      %select_n3A_185 = arith.select %gt3A_174, %get3A_173, %select_n3A_168 : vector<16xi1>, vector<16xf32>
      %get3A_186 = arith.constant 10 : i32
      %get3A_187 = arith.index_cast %get3A_186 : i32 to index
      %get3A_188 = arith.index_cast %mul3A_12 : i32 to index
      %get3A_189 = tpu.vector_load %arg4[%get3A_187, %get3A_188] {strides = array<i32>} : memref<16x256xf32, #tpu.memory_space<vmem>>, vector<1x16xf32>,
      %get3A_190 = vector.shape_cast %get3A_189 : vector<1x16xf32> to vector<16xf32>
      %gt3A_191 = arith.cmpf ogt, %get3A_190, %select_n3A_185 : vector<16xf32>
      %gt3A_192 = arith.cmpf ogt, %get3A_190, %select_n3A_181 : vector<16xf32>
      %jit3A_193 = arith.constant 10 : i32
      %broadcast_in_dim3A_194 = vector.broadcast %jit3A_193 : i32 to vector<16xi32>
      %select_n3A_195 = arith.select %gt3A_192, %broadcast_in_dim3A_194, %select_n3A_179 : vector<16xi1>, vector<16xi32>
      %select_n3A_196 = arith.select %gt3A_191, %select_n3A_184, %select_n3A_195 : vector<16xi1>, vector<16xi32>
      %select_n3A_197 = arith.select %gt3A_192, %get3A_190, %select_n3A_181 : vector<16xi1>, vector<16xf32>
      %select_n3A_198 = arith.select %gt3A_191, %select_n3A_185, %select_n3A_197 : vector<16xi1>, vector<16xf32>
      %broadcast_in_dim3A_199 = arith.constant 10 : i32
      %broadcast_in_dim3A_200 = vector.broadcast %broadcast_in_dim3A_199 : i32 to vector<16xi32>
      %select_n3A_201 = arith.select %gt3A_191, %broadcast_in_dim3A_200, %select_n3A_184 : vector<16xi1>, vector<16xi32>
      %select_n3A_202 = arith.select %gt3A_191, %get3A_190, %select_n3A_185 : vector<16xi1>, vector<16xf32>
      %get3A_203 = arith.constant 11 : i32
      %get3A_204 = arith.index_cast %get3A_203 : i32 to index
      %get3A_205 = arith.index_cast %mul3A_12 : i32 to index
      %get3A_206 = tpu.vector_load %arg4[%get3A_204, %get3A_205] {strides = array<i32>} : memref<16x256xf32, #tpu.memory_space<vmem>>, vector<1x16xf32>,
      %get3A_207 = vector.shape_cast %get3A_206 : vector<1x16xf32> to vector<16xf32>
      %gt3A_208 = arith.cmpf ogt, %get3A_207, %select_n3A_202 : vector<16xf32>
      %gt3A_209 = arith.cmpf ogt, %get3A_207, %select_n3A_198 : vector<16xf32>
      %jit3A_210 = arith.constant 11 : i32
      %broadcast_in_dim3A_211 = vector.broadcast %jit3A_210 : i32 to vector<16xi32>
      %select_n3A_212 = arith.select %gt3A_209, %broadcast_in_dim3A_211, %select_n3A_196 : vector<16xi1>, vector<16xi32>
      %select_n3A_213 = arith.select %gt3A_208, %select_n3A_201, %select_n3A_212 : vector<16xi1>, vector<16xi32>
      %select_n3A_214 = arith.select %gt3A_209, %get3A_207, %select_n3A_198 : vector<16xi1>, vector<16xf32>
      %select_n3A_215 = arith.select %gt3A_208, %select_n3A_202, %select_n3A_214 : vector<16xi1>, vector<16xf32>
      %broadcast_in_dim3A_216 = arith.constant 11 : i32
      %broadcast_in_dim3A_217 = vector.broadcast %broadcast_in_dim3A_216 : i32 to vector<16xi32>
      %select_n3A_218 = arith.select %gt3A_208, %broadcast_in_dim3A_217, %select_n3A_201 : vector<16xi1>, vector<16xi32>
      %select_n3A_219 = arith.select %gt3A_208, %get3A_207, %select_n3A_202 : vector<16xi1>, vector<16xf32>
      %get3A_220 = arith.constant 12 : i32
      %get3A_221 = arith.index_cast %get3A_220 : i32 to index
      %get3A_222 = arith.index_cast %mul3A_12 : i32 to index
      %get3A_223 = tpu.vector_load %arg4[%get3A_221, %get3A_222] {strides = array<i32>} : memref<16x256xf32, #tpu.memory_space<vmem>>, vector<1x16xf32>,
      %get3A_224 = vector.shape_cast %get3A_223 : vector<1x16xf32> to vector<16xf32>
      %gt3A_225 = arith.cmpf ogt, %get3A_224, %select_n3A_219 : vector<16xf32>
      %gt3A_226 = arith.cmpf ogt, %get3A_224, %select_n3A_215 : vector<16xf32>
      %jit3A_227 = arith.constant 12 : i32
      %broadcast_in_dim3A_228 = vector.broadcast %jit3A_227 : i32 to vector<16xi32>
      %select_n3A_229 = arith.select %gt3A_226, %broadcast_in_dim3A_228, %select_n3A_213 : vector<16xi1>, vector<16xi32>
      %select_n3A_230 = arith.select %gt3A_225, %select_n3A_218, %select_n3A_229 : vector<16xi1>, vector<16xi32>
      %select_n3A_231 = arith.select %gt3A_226, %get3A_224, %select_n3A_215 : vector<16xi1>, vector<16xf32>
      %select_n3A_232 = arith.select %gt3A_225, %select_n3A_219, %select_n3A_231 : vector<16xi1>, vector<16xf32>
      %broadcast_in_dim3A_233 = arith.constant 12 : i32
      %broadcast_in_dim3A_234 = vector.broadcast %broadcast_in_dim3A_233 : i32 to vector<16xi32>
      %select_n3A_235 = arith.select %gt3A_225, %broadcast_in_dim3A_234, %select_n3A_218 : vector<16xi1>, vector<16xi32>
      %select_n3A_236 = arith.select %gt3A_225, %get3A_224, %select_n3A_219 : vector<16xi1>, vector<16xf32>
      %get3A_237 = arith.constant 13 : i32
      %get3A_238 = arith.index_cast %get3A_237 : i32 to index
      %get3A_239 = arith.index_cast %mul3A_12 : i32 to index
      %get3A_240 = tpu.vector_load %arg4[%get3A_238, %get3A_239] {strides = array<i32>} : memref<16x256xf32, #tpu.memory_space<vmem>>, vector<1x16xf32>,
      %get3A_241 = vector.shape_cast %get3A_240 : vector<1x16xf32> to vector<16xf32>
      %gt3A_242 = arith.cmpf ogt, %get3A_241, %select_n3A_236 : vector<16xf32>
      %gt3A_243 = arith.cmpf ogt, %get3A_241, %select_n3A_232 : vector<16xf32>
      %jit3A_244 = arith.constant 13 : i32
      %broadcast_in_dim3A_245 = vector.broadcast %jit3A_244 : i32 to vector<16xi32>
      %select_n3A_246 = arith.select %gt3A_243, %broadcast_in_dim3A_245, %select_n3A_230 : vector<16xi1>, vector<16xi32>
      %select_n3A_247 = arith.select %gt3A_242, %select_n3A_235, %select_n3A_246 : vector<16xi1>, vector<16xi32>
      %select_n3A_248 = arith.select %gt3A_243, %get3A_241, %select_n3A_232 : vector<16xi1>, vector<16xf32>
      %select_n3A_249 = arith.select %gt3A_242, %select_n3A_236, %select_n3A_248 : vector<16xi1>, vector<16xf32>
      %broadcast_in_dim3A_250 = arith.constant 13 : i32
      %broadcast_in_dim3A_251 = vector.broadcast %broadcast_in_dim3A_250 : i32 to vector<16xi32>
      %select_n3A_252 = arith.select %gt3A_242, %broadcast_in_dim3A_251, %select_n3A_235 : vector<16xi1>, vector<16xi32>
      %select_n3A_253 = arith.select %gt3A_242, %get3A_241, %select_n3A_236 : vector<16xi1>, vector<16xf32>
      %get3A_254 = arith.constant 14 : i32
      %get3A_255 = arith.index_cast %get3A_254 : i32 to index
      %get3A_256 = arith.index_cast %mul3A_12 : i32 to index
      %get3A_257 = tpu.vector_load %arg4[%get3A_255, %get3A_256] {strides = array<i32>} : memref<16x256xf32, #tpu.memory_space<vmem>>, vector<1x16xf32>,
      %get3A_258 = vector.shape_cast %get3A_257 : vector<1x16xf32> to vector<16xf32>
      %gt3A_259 = arith.cmpf ogt, %get3A_258, %select_n3A_253 : vector<16xf32>
      %gt3A_260 = arith.cmpf ogt, %get3A_258, %select_n3A_249 : vector<16xf32>
      %jit3A_261 = arith.constant 14 : i32
      %broadcast_in_dim3A_262 = vector.broadcast %jit3A_261 : i32 to vector<16xi32>
      %select_n3A_263 = arith.select %gt3A_260, %broadcast_in_dim3A_262, %select_n3A_247 : vector<16xi1>, vector<16xi32>
      %select_n3A_264 = arith.select %gt3A_259, %select_n3A_252, %select_n3A_263 : vector<16xi1>, vector<16xi32>
      %select_n3A_265 = arith.select %gt3A_260, %get3A_258, %select_n3A_249 : vector<16xi1>, vector<16xf32>
      %select_n3A_266 = arith.select %gt3A_259, %select_n3A_253, %select_n3A_265 : vector<16xi1>, vector<16xf32>
      %broadcast_in_dim3A_267 = arith.constant 14 : i32
      %broadcast_in_dim3A_268 = vector.broadcast %broadcast_in_dim3A_267 : i32 to vector<16xi32>
      %select_n3A_269 = arith.select %gt3A_259, %broadcast_in_dim3A_268, %select_n3A_252 : vector<16xi1>, vector<16xi32>
      %select_n3A_270 = arith.select %gt3A_259, %get3A_258, %select_n3A_253 : vector<16xi1>, vector<16xf32>
      %get3A_271 = arith.constant 15 : i32
      %get3A_272 = arith.index_cast %get3A_271 : i32 to index
      %get3A_273 = arith.index_cast %mul3A_12 : i32 to index
      %get3A_274 = tpu.vector_load %arg4[%get3A_272, %get3A_273] {strides = array<i32>} : memref<16x256xf32, #tpu.memory_space<vmem>>, vector<1x16xf32>,
      %get3A_275 = vector.shape_cast %get3A_274 : vector<1x16xf32> to vector<16xf32>
      %gt3A_276 = arith.cmpf ogt, %get3A_275, %select_n3A_270 : vector<16xf32>
      %gt3A_277 = arith.cmpf ogt, %get3A_275, %select_n3A_266 : vector<16xf32>
      %jit3A_278 = arith.constant 15 : i32
      %broadcast_in_dim3A_279 = vector.broadcast %jit3A_278 : i32 to vector<16xi32>
      %select_n3A_280 = arith.select %gt3A_277, %broadcast_in_dim3A_279, %select_n3A_264 : vector<16xi1>, vector<16xi32>
      %select_n3A_281 = arith.select %gt3A_276, %select_n3A_269, %select_n3A_280 : vector<16xi1>, vector<16xi32>
      %select_n3A_282 = arith.select %gt3A_277, %get3A_275, %select_n3A_266 : vector<16xi1>, vector<16xf32>
      %select_n3A_283 = arith.select %gt3A_276, %select_n3A_270, %select_n3A_282 : vector<16xi1>, vector<16xf32>
      %broadcast_in_dim3A_284 = arith.constant 15 : i32
      %broadcast_in_dim3A_285 = vector.broadcast %broadcast_in_dim3A_284 : i32 to vector<16xi32>
      %select_n3A_286 = arith.select %gt3A_276, %broadcast_in_dim3A_285, %select_n3A_269 : vector<16xi1>, vector<16xi32>
      %select_n3A_287 = arith.select %gt3A_276, %get3A_275, %select_n3A_270 : vector<16xi1>, vector<16xf32>
      %sub3A = arith.subf %select_n3A_283, %select_n3A_287 : vector<16xf32>
      %exp3A = math.exp %sub3A : vector<16xf32>
      %add3A_288 = arith.constant 1.000000e+00 : f32
      %add3A_289 = vector.broadcast %add3A_288 : f32 to vector<16xf32>
      %add3A_290 = arith.addf %add3A_289, %exp3A : vector<16xf32>
      %div3A = arith.constant 1.000000e+00 : f32
      %div3A_291 = vector.broadcast %div3A : f32 to vector<16xf32>
      %div3A_292 = arith.divf %div3A_291, %add3A_290 : vector<16xf32>
      %mul3A_293 = arith.mulf %exp3A, %div3A_292 : vector<16xf32>
      %slice3A = vector.extract_strided_slice %select_n3A_286 {offsets = [0], sizes = [1], strides = [1]} : vector<16xi32> to vector<1xi32>
      %squeeze3A = vector.extract %slice3A[0] : i32 from vector<1xi32>
      %eq3A = vector.broadcast %squeeze3A : i32 to vector<16xi32>
      %eq3A_294 = arith.cmpi eq, %iota3A, %eq3A : vector<16xi32>
      %slice3A_295 = vector.extract_strided_slice %div3A_292 {offsets = [0], sizes = [1], strides = [1]} : vector<16xf32> to vector<1xf32>
      %squeeze3A_296 = vector.extract %slice3A_295[0] : f32 from vector<1xf32>
      %slice3A_297 = vector.extract_strided_slice %select_n3A_281 {offsets = [0], sizes = [1], strides = [1]} : vector<16xi32> to vector<1xi32>
      %squeeze3A_298 = vector.extract %slice3A_297[0] : i32 from vector<1xi32>
      %eq3A_299 = vector.broadcast %squeeze3A_298 : i32 to vector<16xi32>
      %eq3A_300 = arith.cmpi eq, %iota3A, %eq3A_299 : vector<16xi32>
      %slice3A_301 = vector.extract_strided_slice %mul3A_293 {offsets = [0], sizes = [1], strides = [1]} : vector<16xf32> to vector<1xf32>
      %squeeze3A_302 = vector.extract %slice3A_301[0] : f32 from vector<1xf32>
      %jit3A_303 = arith.constant 0.000000e+00 : f32
      %broadcast_in_dim3A_304 = vector.broadcast %squeeze3A_302 : f32 to vector<16xf32>
      %broadcast_in_dim3A_305 = vector.broadcast %jit3A_303 : f32 to vector<16xf32>
      %select_n3A_306 = arith.select %eq3A_300, %broadcast_in_dim3A_304, %broadcast_in_dim3A_305 : vector<16xi1>, vector<16xf32>
      %broadcast_in_dim3A_307 = vector.broadcast %squeeze3A_296 : f32 to vector<16xf32>
      %select_n3A_308 = arith.select %eq3A_294, %broadcast_in_dim3A_307, %select_n3A_306 : vector<16xi1>, vector<16xf32>
      %add3A_309 = arith.constant 0 : i32
      %add3A_310 = arith.addi %mul3A_12, %add3A_309 : i32
      %mul3A_311 = arith.constant 16 : i32
      %mul3A_312 = arith.muli %add3A_310, %mul3A_311 : i32
      %swap3A = arith.index_cast %mul3A_312 : i32 to index
      %swap3A_313 = tpu.vector_load %arg5[%swap3A] {strides = array<i32>} : memref<4096xf32, #tpu.memory_space<vmem>>, vector<16xf32>,
      %swap3A_314 = vector.shape_cast %swap3A_313 : vector<16xf32> to vector<16xf32>
      %swap3A_315 = vector.shape_cast %select_n3A_308 : vector<16xf32> to vector<16xf32>
      tpu.vector_store %arg5[%swap3A], %swap3A_315 {strides = array<i32>} : memref<4096xf32, #tpu.memory_space<vmem>>, vector<16xf32>,
      %slice3A_316 = vector.extract_strided_slice %select_n3A_286 {offsets = [1], sizes = [1], strides = [1]} : vector<16xi32> to vector<1xi32>
      %squeeze3A_317 = vector.extract %slice3A_316[0] : i32 from vector<1xi32>
      %eq3A_318 = vector.broadcast %squeeze3A_317 : i32 to vector<16xi32>
      %eq3A_319 = arith.cmpi eq, %iota3A, %eq3A_318 : vector<16xi32>
      %slice3A_320 = vector.extract_strided_slice %div3A_292 {offsets = [1], sizes = [1], strides = [1]} : vector<16xf32> to vector<1xf32>
      %squeeze3A_321 = vector.extract %slice3A_320[0] : f32 from vector<1xf32>
      %slice3A_322 = vector.extract_strided_slice %select_n3A_281 {offsets = [1], sizes = [1], strides = [1]} : vector<16xi32> to vector<1xi32>
      %squeeze3A_323 = vector.extract %slice3A_322[0] : i32 from vector<1xi32>
      %eq3A_324 = vector.broadcast %squeeze3A_323 : i32 to vector<16xi32>
      %eq3A_325 = arith.cmpi eq, %iota3A, %eq3A_324 : vector<16xi32>
      %slice3A_326 = vector.extract_strided_slice %mul3A_293 {offsets = [1], sizes = [1], strides = [1]} : vector<16xf32> to vector<1xf32>
      %squeeze3A_327 = vector.extract %slice3A_326[0] : f32 from vector<1xf32>
      %jit3A_328 = arith.constant 0.000000e+00 : f32
      %broadcast_in_dim3A_329 = vector.broadcast %squeeze3A_327 : f32 to vector<16xf32>
      %broadcast_in_dim3A_330 = vector.broadcast %jit3A_328 : f32 to vector<16xf32>
      %select_n3A_331 = arith.select %eq3A_325, %broadcast_in_dim3A_329, %broadcast_in_dim3A_330 : vector<16xi1>, vector<16xf32>
      %broadcast_in_dim3A_332 = vector.broadcast %squeeze3A_321 : f32 to vector<16xf32>
      %select_n3A_333 = arith.select %eq3A_319, %broadcast_in_dim3A_332, %select_n3A_331 : vector<16xi1>, vector<16xf32>
      %add3A_334 = arith.constant 1 : i32
      %add3A_335 = arith.addi %mul3A_12, %add3A_334 : i32
      %mul3A_336 = arith.constant 16 : i32
      %mul3A_337 = arith.muli %add3A_335, %mul3A_336 : i32
      %swap3A_338 = arith.index_cast %mul3A_337 : i32 to index
      %swap3A_339 = tpu.vector_load %arg5[%swap3A_338] {strides = array<i32>} : memref<4096xf32, #tpu.memory_space<vmem>>, vector<16xf32>,
      %swap3A_340 = vector.shape_cast %swap3A_339 : vector<16xf32> to vector<16xf32>
      %swap3A_341 = vector.shape_cast %select_n3A_333 : vector<16xf32> to vector<16xf32>
      tpu.vector_store %arg5[%swap3A_338], %swap3A_341 {strides = array<i32>} : memref<4096xf32, #tpu.memory_space<vmem>>, vector<16xf32>,
      %slice3A_342 = vector.extract_strided_slice %select_n3A_286 {offsets = [2], sizes = [1], strides = [1]} : vector<16xi32> to vector<1xi32>
      %squeeze3A_343 = vector.extract %slice3A_342[0] : i32 from vector<1xi32>
      %eq3A_344 = vector.broadcast %squeeze3A_343 : i32 to vector<16xi32>
      %eq3A_345 = arith.cmpi eq, %iota3A, %eq3A_344 : vector<16xi32>
      %slice3A_346 = vector.extract_strided_slice %div3A_292 {offsets = [2], sizes = [1], strides = [1]} : vector<16xf32> to vector<1xf32>
      %squeeze3A_347 = vector.extract %slice3A_346[0] : f32 from vector<1xf32>
      %slice3A_348 = vector.extract_strided_slice %select_n3A_281 {offsets = [2], sizes = [1], strides = [1]} : vector<16xi32> to vector<1xi32>
      %squeeze3A_349 = vector.extract %slice3A_348[0] : i32 from vector<1xi32>
      %eq3A_350 = vector.broadcast %squeeze3A_349 : i32 to vector<16xi32>
      %eq3A_351 = arith.cmpi eq, %iota3A, %eq3A_350 : vector<16xi32>
      %slice3A_352 = vector.extract_strided_slice %mul3A_293 {offsets = [2], sizes = [1], strides = [1]} : vector<16xf32> to vector<1xf32>
      %squeeze3A_353 = vector.extract %slice3A_352[0] : f32 from vector<1xf32>
      %jit3A_354 = arith.constant 0.000000e+00 : f32
      %broadcast_in_dim3A_355 = vector.broadcast %squeeze3A_353 : f32 to vector<16xf32>
      %broadcast_in_dim3A_356 = vector.broadcast %jit3A_354 : f32 to vector<16xf32>
      %select_n3A_357 = arith.select %eq3A_351, %broadcast_in_dim3A_355, %broadcast_in_dim3A_356 : vector<16xi1>, vector<16xf32>
      %broadcast_in_dim3A_358 = vector.broadcast %squeeze3A_347 : f32 to vector<16xf32>
      %select_n3A_359 = arith.select %eq3A_345, %broadcast_in_dim3A_358, %select_n3A_357 : vector<16xi1>, vector<16xf32>
      %add3A_360 = arith.constant 2 : i32
      %add3A_361 = arith.addi %mul3A_12, %add3A_360 : i32
      %mul3A_362 = arith.constant 16 : i32
      %mul3A_363 = arith.muli %add3A_361, %mul3A_362 : i32
      %swap3A_364 = arith.index_cast %mul3A_363 : i32 to index
      %swap3A_365 = tpu.vector_load %arg5[%swap3A_364] {strides = array<i32>} : memref<4096xf32, #tpu.memory_space<vmem>>, vector<16xf32>,
      %swap3A_366 = vector.shape_cast %swap3A_365 : vector<16xf32> to vector<16xf32>
      %swap3A_367 = vector.shape_cast %select_n3A_359 : vector<16xf32> to vector<16xf32>
      tpu.vector_store %arg5[%swap3A_364], %swap3A_367 {strides = array<i32>} : memref<4096xf32, #tpu.memory_space<vmem>>, vector<16xf32>,
      %slice3A_368 = vector.extract_strided_slice %select_n3A_286 {offsets = [3], sizes = [1], strides = [1]} : vector<16xi32> to vector<1xi32>
      %squeeze3A_369 = vector.extract %slice3A_368[0] : i32 from vector<1xi32>
      %eq3A_370 = vector.broadcast %squeeze3A_369 : i32 to vector<16xi32>
      %eq3A_371 = arith.cmpi eq, %iota3A, %eq3A_370 : vector<16xi32>
      %slice3A_372 = vector.extract_strided_slice %div3A_292 {offsets = [3], sizes = [1], strides = [1]} : vector<16xf32> to vector<1xf32>
      %squeeze3A_373 = vector.extract %slice3A_372[0] : f32 from vector<1xf32>
      %slice3A_374 = vector.extract_strided_slice %select_n3A_281 {offsets = [3], sizes = [1], strides = [1]} : vector<16xi32> to vector<1xi32>
      %squeeze3A_375 = vector.extract %slice3A_374[0] : i32 from vector<1xi32>
      %eq3A_376 = vector.broadcast %squeeze3A_375 : i32 to vector<16xi32>
      %eq3A_377 = arith.cmpi eq, %iota3A, %eq3A_376 : vector<16xi32>
      %slice3A_378 = vector.extract_strided_slice %mul3A_293 {offsets = [3], sizes = [1], strides = [1]} : vector<16xf32> to vector<1xf32>
      %squeeze3A_379 = vector.extract %slice3A_378[0] : f32 from vector<1xf32>
      %jit3A_380 = arith.constant 0.000000e+00 : f32
      %broadcast_in_dim3A_381 = vector.broadcast %squeeze3A_379 : f32 to vector<16xf32>
      %broadcast_in_dim3A_382 = vector.broadcast %jit3A_380 : f32 to vector<16xf32>
      %select_n3A_383 = arith.select %eq3A_377, %broadcast_in_dim3A_381, %broadcast_in_dim3A_382 : vector<16xi1>, vector<16xf32>
      %broadcast_in_dim3A_384 = vector.broadcast %squeeze3A_373 : f32 to vector<16xf32>
      %select_n3A_385 = arith.select %eq3A_371, %broadcast_in_dim3A_384, %select_n3A_383 : vector<16xi1>, vector<16xf32>
      %add3A_386 = arith.constant 3 : i32
      %add3A_387 = arith.addi %mul3A_12, %add3A_386 : i32
      %mul3A_388 = arith.constant 16 : i32
      %mul3A_389 = arith.muli %add3A_387, %mul3A_388 : i32
      %swap3A_390 = arith.index_cast %mul3A_389 : i32 to index
      %swap3A_391 = tpu.vector_load %arg5[%swap3A_390] {strides = array<i32>} : memref<4096xf32, #tpu.memory_space<vmem>>, vector<16xf32>,
      %swap3A_392 = vector.shape_cast %swap3A_391 : vector<16xf32> to vector<16xf32>
      %swap3A_393 = vector.shape_cast %select_n3A_385 : vector<16xf32> to vector<16xf32>
      tpu.vector_store %arg5[%swap3A_390], %swap3A_393 {strides = array<i32>} : memref<4096xf32, #tpu.memory_space<vmem>>, vector<16xf32>,
      %slice3A_394 = vector.extract_strided_slice %select_n3A_286 {offsets = [4], sizes = [1], strides = [1]} : vector<16xi32> to vector<1xi32>
      %squeeze3A_395 = vector.extract %slice3A_394[0] : i32 from vector<1xi32>
      %eq3A_396 = vector.broadcast %squeeze3A_395 : i32 to vector<16xi32>
      %eq3A_397 = arith.cmpi eq, %iota3A, %eq3A_396 : vector<16xi32>
      %slice3A_398 = vector.extract_strided_slice %div3A_292 {offsets = [4], sizes = [1], strides = [1]} : vector<16xf32> to vector<1xf32>
      %squeeze3A_399 = vector.extract %slice3A_398[0] : f32 from vector<1xf32>
      %slice3A_400 = vector.extract_strided_slice %select_n3A_281 {offsets = [4], sizes = [1], strides = [1]} : vector<16xi32> to vector<1xi32>
      %squeeze3A_401 = vector.extract %slice3A_400[0] : i32 from vector<1xi32>
      %eq3A_402 = vector.broadcast %squeeze3A_401 : i32 to vector<16xi32>
      %eq3A_403 = arith.cmpi eq, %iota3A, %eq3A_402 : vector<16xi32>
      %slice3A_404 = vector.extract_strided_slice %mul3A_293 {offsets = [4], sizes = [1], strides = [1]} : vector<16xf32> to vector<1xf32>
      %squeeze3A_405 = vector.extract %slice3A_404[0] : f32 from vector<1xf32>
      %jit3A_406 = arith.constant 0.000000e+00 : f32
      %broadcast_in_dim3A_407 = vector.broadcast %squeeze3A_405 : f32 to vector<16xf32>
      %broadcast_in_dim3A_408 = vector.broadcast %jit3A_406 : f32 to vector<16xf32>
      %select_n3A_409 = arith.select %eq3A_403, %broadcast_in_dim3A_407, %broadcast_in_dim3A_408 : vector<16xi1>, vector<16xf32>
      %broadcast_in_dim3A_410 = vector.broadcast %squeeze3A_399 : f32 to vector<16xf32>
      %select_n3A_411 = arith.select %eq3A_397, %broadcast_in_dim3A_410, %select_n3A_409 : vector<16xi1>, vector<16xf32>
      %add3A_412 = arith.constant 4 : i32
      %add3A_413 = arith.addi %mul3A_12, %add3A_412 : i32
      %mul3A_414 = arith.constant 16 : i32
      %mul3A_415 = arith.muli %add3A_413, %mul3A_414 : i32
      %swap3A_416 = arith.index_cast %mul3A_415 : i32 to index
      %swap3A_417 = tpu.vector_load %arg5[%swap3A_416] {strides = array<i32>} : memref<4096xf32, #tpu.memory_space<vmem>>, vector<16xf32>,
      %swap3A_418 = vector.shape_cast %swap3A_417 : vector<16xf32> to vector<16xf32>
      %swap3A_419 = vector.shape_cast %select_n3A_411 : vector<16xf32> to vector<16xf32>
      tpu.vector_store %arg5[%swap3A_416], %swap3A_419 {strides = array<i32>} : memref<4096xf32, #tpu.memory_space<vmem>>, vector<16xf32>,
      %slice3A_420 = vector.extract_strided_slice %select_n3A_286 {offsets = [5], sizes = [1], strides = [1]} : vector<16xi32> to vector<1xi32>
      %squeeze3A_421 = vector.extract %slice3A_420[0] : i32 from vector<1xi32>
      %eq3A_422 = vector.broadcast %squeeze3A_421 : i32 to vector<16xi32>
      %eq3A_423 = arith.cmpi eq, %iota3A, %eq3A_422 : vector<16xi32>
      %slice3A_424 = vector.extract_strided_slice %div3A_292 {offsets = [5], sizes = [1], strides = [1]} : vector<16xf32> to vector<1xf32>
      %squeeze3A_425 = vector.extract %slice3A_424[0] : f32 from vector<1xf32>
      %slice3A_426 = vector.extract_strided_slice %select_n3A_281 {offsets = [5], sizes = [1], strides = [1]} : vector<16xi32> to vector<1xi32>
      %squeeze3A_427 = vector.extract %slice3A_426[0] : i32 from vector<1xi32>
      %eq3A_428 = vector.broadcast %squeeze3A_427 : i32 to vector<16xi32>
      %eq3A_429 = arith.cmpi eq, %iota3A, %eq3A_428 : vector<16xi32>
      %slice3A_430 = vector.extract_strided_slice %mul3A_293 {offsets = [5], sizes = [1], strides = [1]} : vector<16xf32> to vector<1xf32>
      %squeeze3A_431 = vector.extract %slice3A_430[0] : f32 from vector<1xf32>
      %jit3A_432 = arith.constant 0.000000e+00 : f32
      %broadcast_in_dim3A_433 = vector.broadcast %squeeze3A_431 : f32 to vector<16xf32>
      %broadcast_in_dim3A_434 = vector.broadcast %jit3A_432 : f32 to vector<16xf32>
      %select_n3A_435 = arith.select %eq3A_429, %broadcast_in_dim3A_433, %broadcast_in_dim3A_434 : vector<16xi1>, vector<16xf32>
      %broadcast_in_dim3A_436 = vector.broadcast %squeeze3A_425 : f32 to vector<16xf32>
      %select_n3A_437 = arith.select %eq3A_423, %broadcast_in_dim3A_436, %select_n3A_435 : vector<16xi1>, vector<16xf32>
      %add3A_438 = arith.constant 5 : i32
      %add3A_439 = arith.addi %mul3A_12, %add3A_438 : i32
      %mul3A_440 = arith.constant 16 : i32
      %mul3A_441 = arith.muli %add3A_439, %mul3A_440 : i32
      %swap3A_442 = arith.index_cast %mul3A_441 : i32 to index
      %swap3A_443 = tpu.vector_load %arg5[%swap3A_442] {strides = array<i32>} : memref<4096xf32, #tpu.memory_space<vmem>>, vector<16xf32>,
      %swap3A_444 = vector.shape_cast %swap3A_443 : vector<16xf32> to vector<16xf32>
      %swap3A_445 = vector.shape_cast %select_n3A_437 : vector<16xf32> to vector<16xf32>
      tpu.vector_store %arg5[%swap3A_442], %swap3A_445 {strides = array<i32>} : memref<4096xf32, #tpu.memory_space<vmem>>, vector<16xf32>,
      %slice3A_446 = vector.extract_strided_slice %select_n3A_286 {offsets = [6], sizes = [1], strides = [1]} : vector<16xi32> to vector<1xi32>
      %squeeze3A_447 = vector.extract %slice3A_446[0] : i32 from vector<1xi32>
      %eq3A_448 = vector.broadcast %squeeze3A_447 : i32 to vector<16xi32>
      %eq3A_449 = arith.cmpi eq, %iota3A, %eq3A_448 : vector<16xi32>
      %slice3A_450 = vector.extract_strided_slice %div3A_292 {offsets = [6], sizes = [1], strides = [1]} : vector<16xf32> to vector<1xf32>
      %squeeze3A_451 = vector.extract %slice3A_450[0] : f32 from vector<1xf32>
      %slice3A_452 = vector.extract_strided_slice %select_n3A_281 {offsets = [6], sizes = [1], strides = [1]} : vector<16xi32> to vector<1xi32>
      %squeeze3A_453 = vector.extract %slice3A_452[0] : i32 from vector<1xi32>
      %eq3A_454 = vector.broadcast %squeeze3A_453 : i32 to vector<16xi32>
      %eq3A_455 = arith.cmpi eq, %iota3A, %eq3A_454 : vector<16xi32>
      %slice3A_456 = vector.extract_strided_slice %mul3A_293 {offsets = [6], sizes = [1], strides = [1]} : vector<16xf32> to vector<1xf32>
      %squeeze3A_457 = vector.extract %slice3A_456[0] : f32 from vector<1xf32>
      %jit3A_458 = arith.constant 0.000000e+00 : f32
      %broadcast_in_dim3A_459 = vector.broadcast %squeeze3A_457 : f32 to vector<16xf32>
      %broadcast_in_dim3A_460 = vector.broadcast %jit3A_458 : f32 to vector<16xf32>
      %select_n3A_461 = arith.select %eq3A_455, %broadcast_in_dim3A_459, %broadcast_in_dim3A_460 : vector<16xi1>, vector<16xf32>
      %broadcast_in_dim3A_462 = vector.broadcast %squeeze3A_451 : f32 to vector<16xf32>
      %select_n3A_463 = arith.select %eq3A_449, %broadcast_in_dim3A_462, %select_n3A_461 : vector<16xi1>, vector<16xf32>
      %add3A_464 = arith.constant 6 : i32
      %add3A_465 = arith.addi %mul3A_12, %add3A_464 : i32
      %mul3A_466 = arith.constant 16 : i32
      %mul3A_467 = arith.muli %add3A_465, %mul3A_466 : i32
      %swap3A_468 = arith.index_cast %mul3A_467 : i32 to index
      %swap3A_469 = tpu.vector_load %arg5[%swap3A_468] {strides = array<i32>} : memref<4096xf32, #tpu.memory_space<vmem>>, vector<16xf32>,
      %swap3A_470 = vector.shape_cast %swap3A_469 : vector<16xf32> to vector<16xf32>
      %swap3A_471 = vector.shape_cast %select_n3A_463 : vector<16xf32> to vector<16xf32>
      tpu.vector_store %arg5[%swap3A_468], %swap3A_471 {strides = array<i32>} : memref<4096xf32, #tpu.memory_space<vmem>>, vector<16xf32>,
      %slice3A_472 = vector.extract_strided_slice %select_n3A_286 {offsets = [7], sizes = [1], strides = [1]} : vector<16xi32> to vector<1xi32>
      %squeeze3A_473 = vector.extract %slice3A_472[0] : i32 from vector<1xi32>
      %eq3A_474 = vector.broadcast %squeeze3A_473 : i32 to vector<16xi32>
      %eq3A_475 = arith.cmpi eq, %iota3A, %eq3A_474 : vector<16xi32>
      %slice3A_476 = vector.extract_strided_slice %div3A_292 {offsets = [7], sizes = [1], strides = [1]} : vector<16xf32> to vector<1xf32>
      %squeeze3A_477 = vector.extract %slice3A_476[0] : f32 from vector<1xf32>
      %slice3A_478 = vector.extract_strided_slice %select_n3A_281 {offsets = [7], sizes = [1], strides = [1]} : vector<16xi32> to vector<1xi32>
      %squeeze3A_479 = vector.extract %slice3A_478[0] : i32 from vector<1xi32>
      %eq3A_480 = vector.broadcast %squeeze3A_479 : i32 to vector<16xi32>
      %eq3A_481 = arith.cmpi eq, %iota3A, %eq3A_480 : vector<16xi32>
      %slice3A_482 = vector.extract_strided_slice %mul3A_293 {offsets = [7], sizes = [1], strides = [1]} : vector<16xf32> to vector<1xf32>
      %squeeze3A_483 = vector.extract %slice3A_482[0] : f32 from vector<1xf32>
      %jit3A_484 = arith.constant 0.000000e+00 : f32
      %broadcast_in_dim3A_485 = vector.broadcast %squeeze3A_483 : f32 to vector<16xf32>
      %broadcast_in_dim3A_486 = vector.broadcast %jit3A_484 : f32 to vector<16xf32>
      %select_n3A_487 = arith.select %eq3A_481, %broadcast_in_dim3A_485, %broadcast_in_dim3A_486 : vector<16xi1>, vector<16xf32>
      %broadcast_in_dim3A_488 = vector.broadcast %squeeze3A_477 : f32 to vector<16xf32>
      %select_n3A_489 = arith.select %eq3A_475, %broadcast_in_dim3A_488, %select_n3A_487 : vector<16xi1>, vector<16xf32>
      %add3A_490 = arith.constant 7 : i32
      %add3A_491 = arith.addi %mul3A_12, %add3A_490 : i32
      %mul3A_492 = arith.constant 16 : i32
      %mul3A_493 = arith.muli %add3A_491, %mul3A_492 : i32
      %swap3A_494 = arith.index_cast %mul3A_493 : i32 to index
      %swap3A_495 = tpu.vector_load %arg5[%swap3A_494] {strides = array<i32>} : memref<4096xf32, #tpu.memory_space<vmem>>, vector<16xf32>,
      %swap3A_496 = vector.shape_cast %swap3A_495 : vector<16xf32> to vector<16xf32>
      %swap3A_497 = vector.shape_cast %select_n3A_489 : vector<16xf32> to vector<16xf32>
      tpu.vector_store %arg5[%swap3A_494], %swap3A_497 {strides = array<i32>} : memref<4096xf32, #tpu.memory_space<vmem>>, vector<16xf32>,
      %slice3A_498 = vector.extract_strided_slice %select_n3A_286 {offsets = [8], sizes = [1], strides = [1]} : vector<16xi32> to vector<1xi32>
      %squeeze3A_499 = vector.extract %slice3A_498[0] : i32 from vector<1xi32>
      %eq3A_500 = vector.broadcast %squeeze3A_499 : i32 to vector<16xi32>
      %eq3A_501 = arith.cmpi eq, %iota3A, %eq3A_500 : vector<16xi32>
      %slice3A_502 = vector.extract_strided_slice %div3A_292 {offsets = [8], sizes = [1], strides = [1]} : vector<16xf32> to vector<1xf32>
      %squeeze3A_503 = vector.extract %slice3A_502[0] : f32 from vector<1xf32>
      %slice3A_504 = vector.extract_strided_slice %select_n3A_281 {offsets = [8], sizes = [1], strides = [1]} : vector<16xi32> to vector<1xi32>
      %squeeze3A_505 = vector.extract %slice3A_504[0] : i32 from vector<1xi32>
      %eq3A_506 = vector.broadcast %squeeze3A_505 : i32 to vector<16xi32>
      %eq3A_507 = arith.cmpi eq, %iota3A, %eq3A_506 : vector<16xi32>
      %slice3A_508 = vector.extract_strided_slice %mul3A_293 {offsets = [8], sizes = [1], strides = [1]} : vector<16xf32> to vector<1xf32>
      %squeeze3A_509 = vector.extract %slice3A_508[0] : f32 from vector<1xf32>
      %jit3A_510 = arith.constant 0.000000e+00 : f32
      %broadcast_in_dim3A_511 = vector.broadcast %squeeze3A_509 : f32 to vector<16xf32>
      %broadcast_in_dim3A_512 = vector.broadcast %jit3A_510 : f32 to vector<16xf32>
      %select_n3A_513 = arith.select %eq3A_507, %broadcast_in_dim3A_511, %broadcast_in_dim3A_512 : vector<16xi1>, vector<16xf32>
      %broadcast_in_dim3A_514 = vector.broadcast %squeeze3A_503 : f32 to vector<16xf32>
      %select_n3A_515 = arith.select %eq3A_501, %broadcast_in_dim3A_514, %select_n3A_513 : vector<16xi1>, vector<16xf32>
      %add3A_516 = arith.constant 8 : i32
      %add3A_517 = arith.addi %mul3A_12, %add3A_516 : i32
      %mul3A_518 = arith.constant 16 : i32
      %mul3A_519 = arith.muli %add3A_517, %mul3A_518 : i32
      %swap3A_520 = arith.index_cast %mul3A_519 : i32 to index
      %swap3A_521 = tpu.vector_load %arg5[%swap3A_520] {strides = array<i32>} : memref<4096xf32, #tpu.memory_space<vmem>>, vector<16xf32>,
      %swap3A_522 = vector.shape_cast %swap3A_521 : vector<16xf32> to vector<16xf32>
      %swap3A_523 = vector.shape_cast %select_n3A_515 : vector<16xf32> to vector<16xf32>
      tpu.vector_store %arg5[%swap3A_520], %swap3A_523 {strides = array<i32>} : memref<4096xf32, #tpu.memory_space<vmem>>, vector<16xf32>,
      %slice3A_524 = vector.extract_strided_slice %select_n3A_286 {offsets = [9], sizes = [1], strides = [1]} : vector<16xi32> to vector<1xi32>
      %squeeze3A_525 = vector.extract %slice3A_524[0] : i32 from vector<1xi32>
      %eq3A_526 = vector.broadcast %squeeze3A_525 : i32 to vector<16xi32>
      %eq3A_527 = arith.cmpi eq, %iota3A, %eq3A_526 : vector<16xi32>
      %slice3A_528 = vector.extract_strided_slice %div3A_292 {offsets = [9], sizes = [1], strides = [1]} : vector<16xf32> to vector<1xf32>
      %squeeze3A_529 = vector.extract %slice3A_528[0] : f32 from vector<1xf32>
      %slice3A_530 = vector.extract_strided_slice %select_n3A_281 {offsets = [9], sizes = [1], strides = [1]} : vector<16xi32> to vector<1xi32>
      %squeeze3A_531 = vector.extract %slice3A_530[0] : i32 from vector<1xi32>
      %eq3A_532 = vector.broadcast %squeeze3A_531 : i32 to vector<16xi32>
      %eq3A_533 = arith.cmpi eq, %iota3A, %eq3A_532 : vector<16xi32>
      %slice3A_534 = vector.extract_strided_slice %mul3A_293 {offsets = [9], sizes = [1], strides = [1]} : vector<16xf32> to vector<1xf32>
      %squeeze3A_535 = vector.extract %slice3A_534[0] : f32 from vector<1xf32>
      %jit3A_536 = arith.constant 0.000000e+00 : f32
      %broadcast_in_dim3A_537 = vector.broadcast %squeeze3A_535 : f32 to vector<16xf32>
      %broadcast_in_dim3A_538 = vector.broadcast %jit3A_536 : f32 to vector<16xf32>
      %select_n3A_539 = arith.select %eq3A_533, %broadcast_in_dim3A_537, %broadcast_in_dim3A_538 : vector<16xi1>, vector<16xf32>
      %broadcast_in_dim3A_540 = vector.broadcast %squeeze3A_529 : f32 to vector<16xf32>
      %select_n3A_541 = arith.select %eq3A_527, %broadcast_in_dim3A_540, %select_n3A_539 : vector<16xi1>, vector<16xf32>
      %add3A_542 = arith.constant 9 : i32
      %add3A_543 = arith.addi %mul3A_12, %add3A_542 : i32
      %mul3A_544 = arith.constant 16 : i32
      %mul3A_545 = arith.muli %add3A_543, %mul3A_544 : i32
      %swap3A_546 = arith.index_cast %mul3A_545 : i32 to index
      %swap3A_547 = tpu.vector_load %arg5[%swap3A_546] {strides = array<i32>} : memref<4096xf32, #tpu.memory_space<vmem>>, vector<16xf32>,
      %swap3A_548 = vector.shape_cast %swap3A_547 : vector<16xf32> to vector<16xf32>
      %swap3A_549 = vector.shape_cast %select_n3A_541 : vector<16xf32> to vector<16xf32>
      tpu.vector_store %arg5[%swap3A_546], %swap3A_549 {strides = array<i32>} : memref<4096xf32, #tpu.memory_space<vmem>>, vector<16xf32>,
      %slice3A_550 = vector.extract_strided_slice %select_n3A_286 {offsets = [10], sizes = [1], strides = [1]} : vector<16xi32> to vector<1xi32>
      %squeeze3A_551 = vector.extract %slice3A_550[0] : i32 from vector<1xi32>
      %eq3A_552 = vector.broadcast %squeeze3A_551 : i32 to vector<16xi32>
      %eq3A_553 = arith.cmpi eq, %iota3A, %eq3A_552 : vector<16xi32>
      %slice3A_554 = vector.extract_strided_slice %div3A_292 {offsets = [10], sizes = [1], strides = [1]} : vector<16xf32> to vector<1xf32>
      %squeeze3A_555 = vector.extract %slice3A_554[0] : f32 from vector<1xf32>
      %slice3A_556 = vector.extract_strided_slice %select_n3A_281 {offsets = [10], sizes = [1], strides = [1]} : vector<16xi32> to vector<1xi32>
      %squeeze3A_557 = vector.extract %slice3A_556[0] : i32 from vector<1xi32>
      %eq3A_558 = vector.broadcast %squeeze3A_557 : i32 to vector<16xi32>
      %eq3A_559 = arith.cmpi eq, %iota3A, %eq3A_558 : vector<16xi32>
      %slice3A_560 = vector.extract_strided_slice %mul3A_293 {offsets = [10], sizes = [1], strides = [1]} : vector<16xf32> to vector<1xf32>
      %squeeze3A_561 = vector.extract %slice3A_560[0] : f32 from vector<1xf32>
      %jit3A_562 = arith.constant 0.000000e+00 : f32
      %broadcast_in_dim3A_563 = vector.broadcast %squeeze3A_561 : f32 to vector<16xf32>
      %broadcast_in_dim3A_564 = vector.broadcast %jit3A_562 : f32 to vector<16xf32>
      %select_n3A_565 = arith.select %eq3A_559, %broadcast_in_dim3A_563, %broadcast_in_dim3A_564 : vector<16xi1>, vector<16xf32>
      %broadcast_in_dim3A_566 = vector.broadcast %squeeze3A_555 : f32 to vector<16xf32>
      %select_n3A_567 = arith.select %eq3A_553, %broadcast_in_dim3A_566, %select_n3A_565 : vector<16xi1>, vector<16xf32>
      %add3A_568 = arith.constant 10 : i32
      %add3A_569 = arith.addi %mul3A_12, %add3A_568 : i32
      %mul3A_570 = arith.constant 16 : i32
      %mul3A_571 = arith.muli %add3A_569, %mul3A_570 : i32
      %swap3A_572 = arith.index_cast %mul3A_571 : i32 to index
      %swap3A_573 = tpu.vector_load %arg5[%swap3A_572] {strides = array<i32>} : memref<4096xf32, #tpu.memory_space<vmem>>, vector<16xf32>,
      %swap3A_574 = vector.shape_cast %swap3A_573 : vector<16xf32> to vector<16xf32>
      %swap3A_575 = vector.shape_cast %select_n3A_567 : vector<16xf32> to vector<16xf32>
      tpu.vector_store %arg5[%swap3A_572], %swap3A_575 {strides = array<i32>} : memref<4096xf32, #tpu.memory_space<vmem>>, vector<16xf32>,
      %slice3A_576 = vector.extract_strided_slice %select_n3A_286 {offsets = [11], sizes = [1], strides = [1]} : vector<16xi32> to vector<1xi32>
      %squeeze3A_577 = vector.extract %slice3A_576[0] : i32 from vector<1xi32>
      %eq3A_578 = vector.broadcast %squeeze3A_577 : i32 to vector<16xi32>
      %eq3A_579 = arith.cmpi eq, %iota3A, %eq3A_578 : vector<16xi32>
      %slice3A_580 = vector.extract_strided_slice %div3A_292 {offsets = [11], sizes = [1], strides = [1]} : vector<16xf32> to vector<1xf32>
      %squeeze3A_581 = vector.extract %slice3A_580[0] : f32 from vector<1xf32>
      %slice3A_582 = vector.extract_strided_slice %select_n3A_281 {offsets = [11], sizes = [1], strides = [1]} : vector<16xi32> to vector<1xi32>
      %squeeze3A_583 = vector.extract %slice3A_582[0] : i32 from vector<1xi32>
      %eq3A_584 = vector.broadcast %squeeze3A_583 : i32 to vector<16xi32>
      %eq3A_585 = arith.cmpi eq, %iota3A, %eq3A_584 : vector<16xi32>
      %slice3A_586 = vector.extract_strided_slice %mul3A_293 {offsets = [11], sizes = [1], strides = [1]} : vector<16xf32> to vector<1xf32>
      %squeeze3A_587 = vector.extract %slice3A_586[0] : f32 from vector<1xf32>
      %jit3A_588 = arith.constant 0.000000e+00 : f32
      %broadcast_in_dim3A_589 = vector.broadcast %squeeze3A_587 : f32 to vector<16xf32>
      %broadcast_in_dim3A_590 = vector.broadcast %jit3A_588 : f32 to vector<16xf32>
      %select_n3A_591 = arith.select %eq3A_585, %broadcast_in_dim3A_589, %broadcast_in_dim3A_590 : vector<16xi1>, vector<16xf32>
      %broadcast_in_dim3A_592 = vector.broadcast %squeeze3A_581 : f32 to vector<16xf32>
      %select_n3A_593 = arith.select %eq3A_579, %broadcast_in_dim3A_592, %select_n3A_591 : vector<16xi1>, vector<16xf32>
      %add3A_594 = arith.constant 11 : i32
      %add3A_595 = arith.addi %mul3A_12, %add3A_594 : i32
      %mul3A_596 = arith.constant 16 : i32
      %mul3A_597 = arith.muli %add3A_595, %mul3A_596 : i32
      %swap3A_598 = arith.index_cast %mul3A_597 : i32 to index
      %swap3A_599 = tpu.vector_load %arg5[%swap3A_598] {strides = array<i32>} : memref<4096xf32, #tpu.memory_space<vmem>>, vector<16xf32>,
      %swap3A_600 = vector.shape_cast %swap3A_599 : vector<16xf32> to vector<16xf32>
      %swap3A_601 = vector.shape_cast %select_n3A_593 : vector<16xf32> to vector<16xf32>
      tpu.vector_store %arg5[%swap3A_598], %swap3A_601 {strides = array<i32>} : memref<4096xf32, #tpu.memory_space<vmem>>, vector<16xf32>,
      %slice3A_602 = vector.extract_strided_slice %select_n3A_286 {offsets = [12], sizes = [1], strides = [1]} : vector<16xi32> to vector<1xi32>
      %squeeze3A_603 = vector.extract %slice3A_602[0] : i32 from vector<1xi32>
      %eq3A_604 = vector.broadcast %squeeze3A_603 : i32 to vector<16xi32>
      %eq3A_605 = arith.cmpi eq, %iota3A, %eq3A_604 : vector<16xi32>
      %slice3A_606 = vector.extract_strided_slice %div3A_292 {offsets = [12], sizes = [1], strides = [1]} : vector<16xf32> to vector<1xf32>
      %squeeze3A_607 = vector.extract %slice3A_606[0] : f32 from vector<1xf32>
      %slice3A_608 = vector.extract_strided_slice %select_n3A_281 {offsets = [12], sizes = [1], strides = [1]} : vector<16xi32> to vector<1xi32>
      %squeeze3A_609 = vector.extract %slice3A_608[0] : i32 from vector<1xi32>
      %eq3A_610 = vector.broadcast %squeeze3A_609 : i32 to vector<16xi32>
      %eq3A_611 = arith.cmpi eq, %iota3A, %eq3A_610 : vector<16xi32>
      %slice3A_612 = vector.extract_strided_slice %mul3A_293 {offsets = [12], sizes = [1], strides = [1]} : vector<16xf32> to vector<1xf32>
      %squeeze3A_613 = vector.extract %slice3A_612[0] : f32 from vector<1xf32>
      %jit3A_614 = arith.constant 0.000000e+00 : f32
      %broadcast_in_dim3A_615 = vector.broadcast %squeeze3A_613 : f32 to vector<16xf32>
      %broadcast_in_dim3A_616 = vector.broadcast %jit3A_614 : f32 to vector<16xf32>
      %select_n3A_617 = arith.select %eq3A_611, %broadcast_in_dim3A_615, %broadcast_in_dim3A_616 : vector<16xi1>, vector<16xf32>
      %broadcast_in_dim3A_618 = vector.broadcast %squeeze3A_607 : f32 to vector<16xf32>
      %select_n3A_619 = arith.select %eq3A_605, %broadcast_in_dim3A_618, %select_n3A_617 : vector<16xi1>, vector<16xf32>
      %add3A_620 = arith.constant 12 : i32
      %add3A_621 = arith.addi %mul3A_12, %add3A_620 : i32
      %mul3A_622 = arith.constant 16 : i32
      %mul3A_623 = arith.muli %add3A_621, %mul3A_622 : i32
      %swap3A_624 = arith.index_cast %mul3A_623 : i32 to index
      %swap3A_625 = tpu.vector_load %arg5[%swap3A_624] {strides = array<i32>} : memref<4096xf32, #tpu.memory_space<vmem>>, vector<16xf32>,
      %swap3A_626 = vector.shape_cast %swap3A_625 : vector<16xf32> to vector<16xf32>
      %swap3A_627 = vector.shape_cast %select_n3A_619 : vector<16xf32> to vector<16xf32>
      tpu.vector_store %arg5[%swap3A_624], %swap3A_627 {strides = array<i32>} : memref<4096xf32, #tpu.memory_space<vmem>>, vector<16xf32>,
      %slice3A_628 = vector.extract_strided_slice %select_n3A_286 {offsets = [13], sizes = [1], strides = [1]} : vector<16xi32> to vector<1xi32>
      %squeeze3A_629 = vector.extract %slice3A_628[0] : i32 from vector<1xi32>
      %eq3A_630 = vector.broadcast %squeeze3A_629 : i32 to vector<16xi32>
      %eq3A_631 = arith.cmpi eq, %iota3A, %eq3A_630 : vector<16xi32>
      %slice3A_632 = vector.extract_strided_slice %div3A_292 {offsets = [13], sizes = [1], strides = [1]} : vector<16xf32> to vector<1xf32>
      %squeeze3A_633 = vector.extract %slice3A_632[0] : f32 from vector<1xf32>
      %slice3A_634 = vector.extract_strided_slice %select_n3A_281 {offsets = [13], sizes = [1], strides = [1]} : vector<16xi32> to vector<1xi32>
      %squeeze3A_635 = vector.extract %slice3A_634[0] : i32 from vector<1xi32>
      %eq3A_636 = vector.broadcast %squeeze3A_635 : i32 to vector<16xi32>
      %eq3A_637 = arith.cmpi eq, %iota3A, %eq3A_636 : vector<16xi32>
      %slice3A_638 = vector.extract_strided_slice %mul3A_293 {offsets = [13], sizes = [1], strides = [1]} : vector<16xf32> to vector<1xf32>
      %squeeze3A_639 = vector.extract %slice3A_638[0] : f32 from vector<1xf32>
      %jit3A_640 = arith.constant 0.000000e+00 : f32
      %broadcast_in_dim3A_641 = vector.broadcast %squeeze3A_639 : f32 to vector<16xf32>
      %broadcast_in_dim3A_642 = vector.broadcast %jit3A_640 : f32 to vector<16xf32>
      %select_n3A_643 = arith.select %eq3A_637, %broadcast_in_dim3A_641, %broadcast_in_dim3A_642 : vector<16xi1>, vector<16xf32>
      %broadcast_in_dim3A_644 = vector.broadcast %squeeze3A_633 : f32 to vector<16xf32>
      %select_n3A_645 = arith.select %eq3A_631, %broadcast_in_dim3A_644, %select_n3A_643 : vector<16xi1>, vector<16xf32>
      %add3A_646 = arith.constant 13 : i32
      %add3A_647 = arith.addi %mul3A_12, %add3A_646 : i32
      %mul3A_648 = arith.constant 16 : i32
      %mul3A_649 = arith.muli %add3A_647, %mul3A_648 : i32
      %swap3A_650 = arith.index_cast %mul3A_649 : i32 to index
      %swap3A_651 = tpu.vector_load %arg5[%swap3A_650] {strides = array<i32>} : memref<4096xf32, #tpu.memory_space<vmem>>, vector<16xf32>,
      %swap3A_652 = vector.shape_cast %swap3A_651 : vector<16xf32> to vector<16xf32>
      %swap3A_653 = vector.shape_cast %select_n3A_645 : vector<16xf32> to vector<16xf32>
      tpu.vector_store %arg5[%swap3A_650], %swap3A_653 {strides = array<i32>} : memref<4096xf32, #tpu.memory_space<vmem>>, vector<16xf32>,
      %slice3A_654 = vector.extract_strided_slice %select_n3A_286 {offsets = [14], sizes = [1], strides = [1]} : vector<16xi32> to vector<1xi32>
      %squeeze3A_655 = vector.extract %slice3A_654[0] : i32 from vector<1xi32>
      %eq3A_656 = vector.broadcast %squeeze3A_655 : i32 to vector<16xi32>
      %eq3A_657 = arith.cmpi eq, %iota3A, %eq3A_656 : vector<16xi32>
      %slice3A_658 = vector.extract_strided_slice %div3A_292 {offsets = [14], sizes = [1], strides = [1]} : vector<16xf32> to vector<1xf32>
      %squeeze3A_659 = vector.extract %slice3A_658[0] : f32 from vector<1xf32>
      %slice3A_660 = vector.extract_strided_slice %select_n3A_281 {offsets = [14], sizes = [1], strides = [1]} : vector<16xi32> to vector<1xi32>
      %squeeze3A_661 = vector.extract %slice3A_660[0] : i32 from vector<1xi32>
      %eq3A_662 = vector.broadcast %squeeze3A_661 : i32 to vector<16xi32>
      %eq3A_663 = arith.cmpi eq, %iota3A, %eq3A_662 : vector<16xi32>
      %slice3A_664 = vector.extract_strided_slice %mul3A_293 {offsets = [14], sizes = [1], strides = [1]} : vector<16xf32> to vector<1xf32>
      %squeeze3A_665 = vector.extract %slice3A_664[0] : f32 from vector<1xf32>
      %jit3A_666 = arith.constant 0.000000e+00 : f32
      %broadcast_in_dim3A_667 = vector.broadcast %squeeze3A_665 : f32 to vector<16xf32>
      %broadcast_in_dim3A_668 = vector.broadcast %jit3A_666 : f32 to vector<16xf32>
      %select_n3A_669 = arith.select %eq3A_663, %broadcast_in_dim3A_667, %broadcast_in_dim3A_668 : vector<16xi1>, vector<16xf32>
      %broadcast_in_dim3A_670 = vector.broadcast %squeeze3A_659 : f32 to vector<16xf32>
      %select_n3A_671 = arith.select %eq3A_657, %broadcast_in_dim3A_670, %select_n3A_669 : vector<16xi1>, vector<16xf32>
      %add3A_672 = arith.constant 14 : i32
      %add3A_673 = arith.addi %mul3A_12, %add3A_672 : i32
      %mul3A_674 = arith.constant 16 : i32
      %mul3A_675 = arith.muli %add3A_673, %mul3A_674 : i32
      %swap3A_676 = arith.index_cast %mul3A_675 : i32 to index
      %swap3A_677 = tpu.vector_load %arg5[%swap3A_676] {strides = array<i32>} : memref<4096xf32, #tpu.memory_space<vmem>>, vector<16xf32>,
      %swap3A_678 = vector.shape_cast %swap3A_677 : vector<16xf32> to vector<16xf32>
      %swap3A_679 = vector.shape_cast %select_n3A_671 : vector<16xf32> to vector<16xf32>
      tpu.vector_store %arg5[%swap3A_676], %swap3A_679 {strides = array<i32>} : memref<4096xf32, #tpu.memory_space<vmem>>, vector<16xf32>,
      %slice3A_680 = vector.extract_strided_slice %select_n3A_286 {offsets = [15], sizes = [1], strides = [1]} : vector<16xi32> to vector<1xi32>
      %squeeze3A_681 = vector.extract %slice3A_680[0] : i32 from vector<1xi32>
      %eq3A_682 = vector.broadcast %squeeze3A_681 : i32 to vector<16xi32>
      %eq3A_683 = arith.cmpi eq, %iota3A, %eq3A_682 : vector<16xi32>
      %slice3A_684 = vector.extract_strided_slice %div3A_292 {offsets = [15], sizes = [1], strides = [1]} : vector<16xf32> to vector<1xf32>
      %squeeze3A_685 = vector.extract %slice3A_684[0] : f32 from vector<1xf32>
      %slice3A_686 = vector.extract_strided_slice %select_n3A_281 {offsets = [15], sizes = [1], strides = [1]} : vector<16xi32> to vector<1xi32>
      %squeeze3A_687 = vector.extract %slice3A_686[0] : i32 from vector<1xi32>
      %eq3A_688 = vector.broadcast %squeeze3A_687 : i32 to vector<16xi32>
      %eq3A_689 = arith.cmpi eq, %iota3A, %eq3A_688 : vector<16xi32>
      %slice3A_690 = vector.extract_strided_slice %mul3A_293 {offsets = [15], sizes = [1], strides = [1]} : vector<16xf32> to vector<1xf32>
      %squeeze3A_691 = vector.extract %slice3A_690[0] : f32 from vector<1xf32>
      %jit3A_692 = arith.constant 0.000000e+00 : f32
      %broadcast_in_dim3A_693 = vector.broadcast %squeeze3A_691 : f32 to vector<16xf32>
      %broadcast_in_dim3A_694 = vector.broadcast %jit3A_692 : f32 to vector<16xf32>
      %select_n3A_695 = arith.select %eq3A_689, %broadcast_in_dim3A_693, %broadcast_in_dim3A_694 : vector<16xi1>, vector<16xf32>
      %broadcast_in_dim3A_696 = vector.broadcast %squeeze3A_685 : f32 to vector<16xf32>
      %select_n3A_697 = arith.select %eq3A_683, %broadcast_in_dim3A_696, %select_n3A_695 : vector<16xi1>, vector<16xf32>
      %add3A_698 = arith.constant 15 : i32
      %add3A_699 = arith.addi %mul3A_12, %add3A_698 : i32
      %mul3A_700 = arith.constant 16 : i32
      %mul3A_701 = arith.muli %add3A_699, %mul3A_700 : i32
      %swap3A_702 = arith.index_cast %mul3A_701 : i32 to index
      %swap3A_703 = tpu.vector_load %arg5[%swap3A_702] {strides = array<i32>} : memref<4096xf32, #tpu.memory_space<vmem>>, vector<16xf32>,
      %swap3A_704 = vector.shape_cast %swap3A_703 : vector<16xf32> to vector<16xf32>
      %swap3A_705 = vector.shape_cast %select_n3A_697 : vector<16xf32> to vector<16xf32>
      tpu.vector_store %arg5[%swap3A_702], %swap3A_705 {strides = array<i32>} : memref<4096xf32, #tpu.memory_space<vmem>>, vector<16xf32>,
    }
    %scan3A_7 = arith.constant 16 : i32
    %mul3A_8 = arith.constant 16 : i32
    %mul3A_9 = arith.muli %mul3A_2, %mul3A_8 : i32
    "tpu.region"() ({
      %run_scoped3A = tpu.sem_alloc : memref<!tpu.dma_semaphore, #tpu.memory_space<semaphore_mem>>
      %dma_start3A = tpu.memref_slice %arg3[%mul3A_9] : memref<131072xf32, #tpu.memory_space<hbm>> -> memref<4096xf32, #tpu.memory_space<hbm>>
      %dma_start3A_10 = tpu.memref_slice %arg3[%mul3A_9] : memref<131072xf32, #tpu.memory_space<hbm>> -> memref<4096xf32, #tpu.memory_space<hbm>>
      tpu.enqueue_dma source(%arg5 : memref<4096xf32, #tpu.memory_space<vmem>>) target(%dma_start3A_10 : memref<4096xf32, #tpu.memory_space<hbm>>) target_semaphore(%run_scoped3A : memref<!tpu.dma_semaphore, #tpu.memory_space<semaphore_mem>>)
      %dma_wait3A = tpu.memref_slice %arg3[%mul3A_9] : memref<131072xf32, #tpu.memory_space<hbm>> -> memref<4096xf32, #tpu.memory_space<hbm>>
      %dma_wait3A_11 = tpu.memref_slice %arg3[%mul3A_9] : memref<131072xf32, #tpu.memory_space<hbm>> -> memref<4096xf32, #tpu.memory_space<hbm>>
      tpu.wait_dma2 semaphore(%run_scoped3A : memref<!tpu.dma_semaphore, #tpu.memory_space<semaphore_mem>>) src(%arg5 : memref<4096xf32, #tpu.memory_space<vmem>>) dst(%dma_wait3A_11 : memref<4096xf32, #tpu.memory_space<hbm>>)
      tpu.yield
    }) : () -> ()
    return
  }
}

module attributes {stable_mosaic.version = 14 : i64} {
  func.func @_tc_body(%arg0: i32, %arg1: memref<1024x2048xf32, #tpu.memory_space<vmem>>, %arg2: memref<2048x128xf32, #tpu.memory_space<vmem>>, %arg3: memref<16x1024xf32, #tpu.memory_space<vmem>>, %arg4: memref<1x1xf32, #tpu.memory_space<smem>>, %arg5: memref<1x128xf32, #tpu.memory_space<vmem>>, %arg6: memref<1x128xf32, #tpu.memory_space<vmem>>) attributes {dimension_semantics = [#tpu.dimension_semantics<arbitrary>], iteration_bounds = array<i64: 8>, scalar_prefetch = 0 : i64, scratch_operands = 2 : i64, tpu.core_type = #tpu.core_type<tc>, window_params = [{transform_indices = @transform_0, window_bounds = array<i64: 1024, 2048>}, {pipeline_mode = #tpu.pipeline_mode<synchronous>, transform_indices = @transform_1, window_bounds = array<i64: 2048, 128>}, {transform_indices = @transform_2, window_bounds = array<i64: 16, 1024>}, {transform_indices = @transform_3, window_bounds = array<i64: 1, 1>}]} {
    %eq3A = arith.constant 0 : i32
    %eq3A_0 = arith.cmpi eq, %arg0, %eq3A : i32
    %convert_element_type3A = arith.extui %eq3A_0 : i1 to i32
    %cond3A = arith.constant 0 : i32
    %cond3A_1 = arith.cmpi ne, %convert_element_type3A, %cond3A : i32
    scf.if %cond3A_1 {
      %broadcast_in_dim3A_86 = arith.constant 0.000000e+00 : f32
      %broadcast_in_dim3A_87 = vector.broadcast %broadcast_in_dim3A_86 : f32 to vector<1x128xf32>
      %swap3A_88 = arith.constant 0 : index
      %swap3A_89 = arith.constant 0 : index
      %swap3A_90 = vector.load %arg5[%swap3A_88, %swap3A_89] : memref<1x128xf32, #tpu.memory_space<vmem>>, vector<1x128xf32>
      tpu.vector_store %arg5[%swap3A_88, %swap3A_89], %broadcast_in_dim3A_87 {strides = array<i32>} : memref<1x128xf32, #tpu.memory_space<vmem>>, vector<1x128xf32>,
      %broadcast_in_dim3A_91 = arith.constant 0.000000e+00 : f32
      %broadcast_in_dim3A_92 = vector.broadcast %broadcast_in_dim3A_91 : f32 to vector<1x128xf32>
      %swap3A_93 = arith.constant 0 : index
      %swap3A_94 = arith.constant 0 : index
      %swap3A_95 = vector.load %arg6[%swap3A_93, %swap3A_94] : memref<1x128xf32, #tpu.memory_space<vmem>>, vector<1x128xf32>
      tpu.vector_store %arg6[%swap3A_93, %swap3A_94], %broadcast_in_dim3A_92 {strides = array<i32>} : memref<1x128xf32, #tpu.memory_space<vmem>>, vector<1x128xf32>,
    } else {
    }
    %get3A = arith.constant 0 : index
    %get3A_2 = arith.constant 0 : index
    %get3A_3 = vector.load %arg1[%get3A, %get3A_2] : memref<1024x2048xf32, #tpu.memory_space<vmem>>, vector<1024x2048xf32>
    %convert_element_type3A_4 = arith.truncf %get3A_3 : vector<1024x2048xf32> to vector<1024x2048xbf16>
    %get3A_5 = arith.constant 0 : index
    %get3A_6 = arith.constant 0 : index
    %get3A_7 = vector.load %arg2[%get3A_5, %get3A_6] : memref<2048x128xf32, #tpu.memory_space<vmem>>, vector<2048x128xf32>
    %convert_element_type3A_8 = arith.truncf %get3A_7 : vector<2048x128xf32> to vector<2048x128xbf16>
    %dot_general3A = arith.constant dense<0.000000e+00> : vector<1024x128xf32>
    %dot_general3A_9 = tpu.matmul %convert_element_type3A_4, %convert_element_type3A_8, %dot_general3A {dimension_numbers = #tpu.dot_dimension_numbers<[1], [0], [0], [1], [0, 0, 1, 1], [], []>, transpose_lhs_hint = false} : vector<1024x2048xbf16>, vector<2048x128xbf16>, vector<1024x128xf32> -> vector<1024x128xf32>
    %slice3A = vector.extract_strided_slice %dot_general3A_9 {offsets = [0, 0], sizes = [1024, 16], strides = [1, 1]} : vector<1024x128xf32> to vector<1024x16xf32>
    %transpose3A = tpu.transpose %slice3A, [1, 0] : vector<1024x16xf32> -> vector<16x1024xf32>
    %swap3A = arith.constant 0 : index
    %swap3A_10 = arith.constant 0 : index
    %swap3A_11 = vector.load %arg3[%swap3A, %swap3A_10] : memref<16x1024xf32, #tpu.memory_space<vmem>>, vector<16x1024xf32>
    tpu.vector_store %arg3[%swap3A, %swap3A_10], %transpose3A {strides = array<i32>} : memref<16x1024xf32, #tpu.memory_space<vmem>>, vector<16x1024xf32>,
    %iota3A = tpu.iota {dimensions = array<i32: 1>} : vector<1024x128xi32>
    %convert_element_type3A_12 = arith.sitofp %iota3A : vector<1024x128xi32> to vector<1024x128xf32>
    %lt3A = arith.constant 1.600000e+01 : f32
    %lt3A_13 = vector.broadcast %lt3A : f32 to vector<1024x128xf32>
    %lt3A_14 = arith.cmpf olt, %convert_element_type3A_12, %lt3A_13 : vector<1024x128xf32>
    %jit3A = arith.constant 0xFF800000 : f32
    %broadcast_in_dim3A = vector.broadcast %jit3A : f32 to vector<1024x128xf32>
    %select_n3A = arith.select %lt3A_14, %dot_general3A_9, %broadcast_in_dim3A : vector<1024x128xi1>, vector<1024x128xf32>
    %reduce_max3A = arith.constant dense<0xFF800000> : vector<1024xf32>
    %reduce_max3A_15 = vector.multi_reduction <maximumf>, %select_n3A, %reduce_max3A [1] : vector<1024x128xf32> to vector<1024xf32>
    %broadcast_in_dim3A_16 = vector.shape_cast %reduce_max3A_15 : vector<1024xf32> to vector<1024x1xf32>
    %eq3A_17 = vector.broadcast %broadcast_in_dim3A_16 : vector<1024x1xf32> to vector<1024x128xf32>
    %eq3A_18 = arith.cmpf oeq, %select_n3A, %eq3A_17 : vector<1024x128xf32>
    %jit3A_19 = arith.constant 1.280000e+02 : f32
    %broadcast_in_dim3A_20 = vector.broadcast %jit3A_19 : f32 to vector<1024x128xf32>
    %select_n3A_21 = arith.select %eq3A_18, %convert_element_type3A_12, %broadcast_in_dim3A_20 : vector<1024x128xi1>, vector<1024x128xf32>
    %reduce_min3A = arith.constant dense<0x7F800000> : vector<1024xf32>
    %reduce_min3A_22 = vector.multi_reduction <minimumf>, %select_n3A_21, %reduce_min3A [1] : vector<1024x128xf32> to vector<1024xf32>
    %broadcast_in_dim3A_23 = vector.shape_cast %reduce_min3A_22 : vector<1024xf32> to vector<1024x1xf32>
    %eq3A_24 = vector.broadcast %broadcast_in_dim3A_23 : vector<1024x1xf32> to vector<1024x128xf32>
    %eq3A_25 = arith.cmpf oeq, %convert_element_type3A_12, %eq3A_24 : vector<1024x128xf32>
    %jit3A_26 = arith.constant 0xFF800000 : f32
    %broadcast_in_dim3A_27 = vector.broadcast %jit3A_26 : f32 to vector<1024x128xf32>
    %select_n3A_28 = arith.select %eq3A_25, %broadcast_in_dim3A_27, %select_n3A : vector<1024x128xi1>, vector<1024x128xf32>
    %reduce_max3A_29 = arith.constant dense<0xFF800000> : vector<1024xf32>
    %reduce_max3A_30 = vector.multi_reduction <maximumf>, %select_n3A_28, %reduce_max3A_29 [1] : vector<1024x128xf32> to vector<1024xf32>
    %broadcast_in_dim3A_31 = vector.shape_cast %reduce_max3A_30 : vector<1024xf32> to vector<1024x1xf32>
    %eq3A_32 = vector.broadcast %broadcast_in_dim3A_31 : vector<1024x1xf32> to vector<1024x128xf32>
    %eq3A_33 = arith.cmpf oeq, %select_n3A_28, %eq3A_32 : vector<1024x128xf32>
    %jit3A_34 = arith.constant 1.280000e+02 : f32
    %broadcast_in_dim3A_35 = vector.broadcast %jit3A_34 : f32 to vector<1024x128xf32>
    %select_n3A_36 = arith.select %eq3A_33, %convert_element_type3A_12, %broadcast_in_dim3A_35 : vector<1024x128xi1>, vector<1024x128xf32>
    %reduce_min3A_37 = arith.constant dense<0x7F800000> : vector<1024xf32>
    %reduce_min3A_38 = vector.multi_reduction <minimumf>, %select_n3A_36, %reduce_min3A_37 [1] : vector<1024x128xf32> to vector<1024xf32>
    %broadcast_in_dim3A_39 = vector.shape_cast %reduce_min3A_38 : vector<1024xf32> to vector<1024x1xf32>
    %sub3A = arith.subf %broadcast_in_dim3A_31, %broadcast_in_dim3A_16 : vector<1024x1xf32>
    %exp3A = math.exp %sub3A : vector<1024x1xf32>
    %add3A = arith.constant 1.000000e+00 : f32
    %add3A_40 = vector.broadcast %add3A : f32 to vector<1024x1xf32>
    %add3A_41 = arith.addf %add3A_40, %exp3A : vector<1024x1xf32>
    %div3A = arith.divf %exp3A, %add3A_41 : vector<1024x1xf32>
    %sub3A_42 = vector.broadcast %broadcast_in_dim3A_16 : vector<1024x1xf32> to vector<1024x128xf32>
    %sub3A_43 = arith.subf %select_n3A, %sub3A_42 : vector<1024x128xf32>
    %exp3A_44 = math.exp %sub3A_43 : vector<1024x128xf32>
    %reduce_sum3A = arith.constant dense<0.000000e+00> : vector<1024xf32>
    %reduce_sum3A_45 = vector.multi_reduction <add>, %exp3A_44, %reduce_sum3A [1] : vector<1024x128xf32> to vector<1024xf32>
    %broadcast_in_dim3A_46 = vector.shape_cast %reduce_sum3A_45 : vector<1024xf32> to vector<1024x1xf32>
    %div3A_47 = vector.broadcast %broadcast_in_dim3A_46 : vector<1024x1xf32> to vector<1024x128xf32>
    %div3A_48 = arith.divf %exp3A_44, %div3A_47 : vector<1024x128xf32>
    %eq3A_49 = vector.broadcast %broadcast_in_dim3A_23 : vector<1024x1xf32> to vector<1024x128xf32>
    %eq3A_50 = arith.cmpf oeq, %convert_element_type3A_12, %eq3A_49 : vector<1024x128xf32>
    %convert_element_type3A_51 = arith.extui %eq3A_50 : vector<1024x128xi1> to vector<1024x128xi32>
    %convert_element_type3A_52 = arith.sitofp %convert_element_type3A_51 : vector<1024x128xi32> to vector<1024x128xf32>
    %eq3A_53 = vector.broadcast %broadcast_in_dim3A_39 : vector<1024x1xf32> to vector<1024x128xf32>
    %eq3A_54 = arith.cmpf oeq, %convert_element_type3A_12, %eq3A_53 : vector<1024x128xf32>
    %gt3A = arith.constant 0.000000e+00 : f32
    %gt3A_55 = vector.broadcast %gt3A : f32 to vector<1024x1xf32>
    %gt3A_56 = arith.cmpf ogt, %div3A, %gt3A_55 : vector<1024x1xf32>
    %and3A = vector.broadcast %gt3A_56 : vector<1024x1xi1> to vector<1024x128xi1>
    %and3A_57 = arith.andi %eq3A_54, %and3A : vector<1024x128xi1>
    %convert_element_type3A_58 = arith.extui %and3A_57 : vector<1024x128xi1> to vector<1024x128xi32>
    %convert_element_type3A_59 = arith.sitofp %convert_element_type3A_58 : vector<1024x128xi32> to vector<1024x128xf32>
    %add3A_60 = arith.addf %convert_element_type3A_52, %convert_element_type3A_59 : vector<1024x128xf32>
    %get3A_61 = arith.constant 0 : index
    %get3A_62 = arith.constant 0 : index
    %get3A_63 = vector.load %arg5[%get3A_61, %get3A_62] : memref<1x128xf32, #tpu.memory_space<vmem>>, vector<1x128xf32>
    %reduce_sum3A_64 = arith.constant dense<0.000000e+00> : vector<128xf32>
    %reduce_sum3A_65 = vector.multi_reduction <add>, %div3A_48, %reduce_sum3A_64 [0] : vector<1024x128xf32> to vector<128xf32>
    %broadcast_in_dim3A_66 = vector.shape_cast %reduce_sum3A_65 : vector<128xf32> to vector<1x128xf32>
    %add3A_67 = arith.addf %get3A_63, %broadcast_in_dim3A_66 : vector<1x128xf32>
    %swap3A_68 = arith.constant 0 : index
    %swap3A_69 = arith.constant 0 : index
    %swap3A_70 = vector.load %arg5[%swap3A_68, %swap3A_69] : memref<1x128xf32, #tpu.memory_space<vmem>>, vector<1x128xf32>
    tpu.vector_store %arg5[%swap3A_68, %swap3A_69], %add3A_67 {strides = array<i32>} : memref<1x128xf32, #tpu.memory_space<vmem>>, vector<1x128xf32>,
    %get3A_71 = arith.constant 0 : index
    %get3A_72 = arith.constant 0 : index
    %get3A_73 = vector.load %arg6[%get3A_71, %get3A_72] : memref<1x128xf32, #tpu.memory_space<vmem>>, vector<1x128xf32>
    %reduce_sum3A_74 = arith.constant dense<0.000000e+00> : vector<128xf32>
    %reduce_sum3A_75 = vector.multi_reduction <add>, %add3A_60, %reduce_sum3A_74 [0] : vector<1024x128xf32> to vector<128xf32>
    %broadcast_in_dim3A_76 = vector.shape_cast %reduce_sum3A_75 : vector<128xf32> to vector<1x128xf32>
    %add3A_77 = arith.addf %get3A_73, %broadcast_in_dim3A_76 : vector<1x128xf32>
    %swap3A_78 = arith.constant 0 : index
    %swap3A_79 = arith.constant 0 : index
    %swap3A_80 = vector.load %arg6[%swap3A_78, %swap3A_79] : memref<1x128xf32, #tpu.memory_space<vmem>>, vector<1x128xf32>
    tpu.vector_store %arg6[%swap3A_78, %swap3A_79], %add3A_77 {strides = array<i32>} : memref<1x128xf32, #tpu.memory_space<vmem>>, vector<1x128xf32>,
    %eq3A_81 = arith.constant 7 : i32
    %eq3A_82 = arith.cmpi eq, %arg0, %eq3A_81 : i32
    %convert_element_type3A_83 = arith.extui %eq3A_82 : i1 to i32
    %cond3A_84 = arith.constant 0 : i32
    %cond3A_85 = arith.cmpi ne, %convert_element_type3A_83, %cond3A_84 : i32
    scf.if %cond3A_85 {
      %get3A_86 = arith.constant 0 : index
      %get3A_87 = arith.constant 0 : index
      %get3A_88 = vector.load %arg5[%get3A_86, %get3A_87] : memref<1x128xf32, #tpu.memory_space<vmem>>, vector<1x128xf32>
      %get3A_89 = arith.constant 0 : index
      %get3A_90 = arith.constant 0 : index
      %get3A_91 = vector.load %arg6[%get3A_89, %get3A_90] : memref<1x128xf32, #tpu.memory_space<vmem>>, vector<1x128xf32>
      %mul3A = arith.mulf %get3A_88, %get3A_91 : vector<1x128xf32>
      %reduce_sum3A_92 = vector.shape_cast %mul3A : vector<1x128xf32> to vector<1x1x128xf32>
      %reduce_sum3A_93 = arith.constant dense<0.000000e+00> : vector<1xf32>
      %reduce_sum3A_94 = vector.multi_reduction <add>, %reduce_sum3A_92, %reduce_sum3A_93 [1, 2] : vector<1x1x128xf32> to vector<1xf32>
      %reduce_sum3A_95 = vector.shape_cast %reduce_sum3A_94 : vector<1xf32> to vector<1x1x1xf32>
      %reduce_sum3A_96 = vector.extract %reduce_sum3A_95[0, 0, 0] : f32 from vector<1x1x1xf32>
      %mul3A_97 = arith.constant 2.38418579E-7 : f32
      %mul3A_98 = arith.mulf %mul3A_97, %reduce_sum3A_96 : f32
      %swap3A_99 = arith.constant 0 : index
      %swap3A_100 = arith.constant 0 : index
      %swap3A_101 = memref.load %arg4[%swap3A_99, %swap3A_100] : memref<1x1xf32, #tpu.memory_space<smem>>
      memref.store %mul3A_98, %arg4[%swap3A_99, %swap3A_100] : memref<1x1xf32, #tpu.memory_space<smem>>
    } else {
    }
    return
  }
  func.func @transform_0(%arg0: i32) -> (i32, i32) {
    %c0_i32 = arith.constant 0 : i32
    %c0_i32_0 = arith.constant 0 : i32
    return %arg0, %c0_i32 : i32, i32
  }
  func.func @transform_1(%arg0: i32) -> (i32, i32) {
    %c0_i32 = arith.constant 0 : i32
    %c0_i32_0 = arith.constant 0 : i32
    %c0_i32_1 = arith.constant 0 : i32
    return %c0_i32, %c0_i32_0 : i32, i32
  }
  func.func @transform_2(%arg0: i32) -> (i32, i32) {
    %c0_i32 = arith.constant 0 : i32
    %c0_i32_0 = arith.constant 0 : i32
    return %c0_i32, %arg0 : i32, i32
  }
  func.func @transform_3(%arg0: i32) -> (i32, i32) {
    %c0_i32 = arith.constant 0 : i32
    %c0_i32_0 = arith.constant 0 : i32
    %c0_i32_1 = arith.constant 0 : i32
    return %c0_i32, %c0_i32_0 : i32, i32
  }
}

</mosaic_0001>

<sc_bundles>
// kernel: kernel.4.cloned.1.call-start
scs
__scs_entry_jumppad:
0x0: {  	(pc) =	sbr.rel $0x88, $3  }
0x1: {  	(tag) =	ssettag $0x0;
	lr =	simm.s32 $0x1  }
0x2: {  	[smem:$0x3F9E] =	sst lr;
	_ =	strace $0xD0000000  }
0x3: {  	_ = 	snop  }
0x4: {  	_ = 	snop  }
0x5: {  	_ = 	snop  }
0x6: {  	_ = 	snop  }
0x7: {  	_ = 	snop  }
__scs_overlays_trampoline_lowered:
0x8: {  	[smem:$0x3FAD] =	sst s0  }
0x9: {  	[smem:$0x3FAE] =	sst s1  }
0xa: {  	[smem:$0x3FAF] =	sst s2  }
0xb: {  	[smem:$0x3FB0] =	sst s3  }
0xc: {  	[smem:$0x3FB1] =	sst s4  }
0xd: {  	[smem:$0x3FB2] =	sst s5  }
0xe: {  	[smem:$0x3FB3] =	sst s6  }
0xf: {  	[smem:$0x3FB4] =	sst s7  }
0x10: {  	[smem:$0x3FB5] =	sst s8  }
0x11: {  	[smem:$0x3FB6] =	sst s9;
	s0 =	simm.s32 @!p0 $0x0  }
0x12: {  	s1 =	sld [smem:$0x3F9C];
	s0 =	simm.s32 @p0 $0x1  }
0x13: {  	[smem:$0x3FB7] =	sst s0;
	s0 =	simm.s32 @!p1 $0x0  }
0x14: {  	s2 =	sld [smem:$0x3F9B];
	s0 =	simm.s32 @p1 $0x1  }
0x15: {  	[smem:$0x3FB8] =	sst s0;
	s0 =	simm.s32 @!p2 $0x0  }
0x16: {  	s3 =	sld [smem:$0x3FDB];
	s0 =	simm.s32 @p2 $0x1  }
0x17: {  	s4 =	simm.s32 $0x1BF5;
	[smem:$0x3FBA] =	sst s0  }
0x18: {  	s0 =	sld [smem:$0x3F9D];
	_ =	swait.ge [sflag:s4], $0x0  }
0x19: {  	s7 =	sld [smem:$0x3F9E]  }
0x1a: {  	s8 =	sadd.s32 $0xFFFFE003, lr  }
0x1b: {  	s9 =	sadd.s32 $0xFFFFFEF7, lr;
	s5 =	simm.s32 $0xFFFFFFFF;
	p2 =	slt.u32 s8, $0xFFFFF086  }
0x1c: {  	p1 =	slt.u32 s9, $0xF7A;
	s5 =	simm.s32 @!p2 $0x0  }
0x1d: {  	s5 =	simm.s32 @p1 $0x1;
	p0 =	seq.s32 s7, s2  }
0x1e: {  	s7 =	smul.u32 @!p0 $0xF7A, s2;
	p2 =	seq.s32 @!p0 s5, $0x0  }
0x1f: {  	s9 =	smul.u32 $0xF7A, s1;
	s8 =	simm.s32 @!p0 $0x1BF5;
	p2 =	por !p2, p0  }
0x20: {  	[sflag:s8] =	ssyncset.s32 @!p0 $0xFFFFF086;
	s6 =	sadd.s32 @!p0 s3, s7;
	s7 =	simm.s32 @!p0 $0x108  }
0x21: {  	s3 =	sadd.s32 s3, s9;
	s6 =	sadd.s32 @!p0 $0x88, s6;
	s7 =	simm.s32 @p2 $0x1082  }
0x22: {  	[simem:s7], [sflag:s8] =	dma.local @!p0 [hbm:s6], $0xF7A  }
0x23: {  	s9 =	sor.u32 $0xD0000000, s2;
	s6 =	simm.s32 $0x108;
	_ =	swait.ge @!p0 [sflag:s8], $0x0  }
0x24: {  	s3 =	sadd.s32 $0x88, s3;
	s6 =	simm.s32 @!p1 $0x1082;
	[sflag:s4] =	ssyncset.s32 $0xFFFFF086  }
0x25: {  	[simem:s6], [sflag:s4] =	dma.local [hbm:s3], $0xF7A  }
0x26: {  	[smem:$0x3F9E] =	sst s1;
	(tag) =	ssettag s2;
	_ =	strace s9  }
0x27: {  	s1 =	sld [smem:$0x3FAE]  }
0x28: {  	s2 =	sld [smem:$0x3FAF]  }
0x29: {  	s4 =	sld [smem:$0x3FB1]  }
0x2a: {  	p0 =	seq.s32 s5, $0x0;
	s5 =	sld [smem:$0x3FB2]  }
0x2b: {  	s6 =	sld [smem:$0x3FB3]  }
0x2c: {  	s7 =	sld [smem:$0x3FB4]  }
0x2d: {  	s3 =	simm.s32 $0x108;
	s8 =	sld [smem:$0x3FB5]  }
0x2e: {  	s3 =	simm.s32 @!p0 $0x1082;
	s9 =	sld [smem:$0x3FB6]  }
0x2f: {  	lr =	sadd.s32 s0, s3;
	s0 =	sld [smem:$0x3FAD]  }
0x30: {  	s3 =	sld [smem:$0x3FB0]  }
0x31: {  	[smem:$0x3FB9] =	sst s10  }
0x32: {  	s10 =	sld [smem:$0x3FB7];
	_ =	sdelay $0x3  }
0x33: {  	p0 =	seq.s32 s10, $0x1;
	s10 =	sld [smem:$0x3FB9];
	_ =	sdelay $0x3  }
0x34: {  	[smem:$0x3FB9] =	sst s10  }
0x35: {  	s10 =	sld [smem:$0x3FB8];
	_ =	sdelay $0x3  }
0x36: {  	p1 =	seq.s32 s10, $0x1;
	s10 =	sld [smem:$0x3FB9];
	_ =	sdelay $0x3  }
0x37: {  	[smem:$0x3FB9] =	sst s10  }
0x38: {  	s10 =	sld [smem:$0x3FBA]  }
0x39: {  	_ = 	snop;
	(pc) =	sbr.ind lr, $3  }
0x3a: {  	_ = 	snop  }
0x3b: {  	_ = 	snop  }
0x3c: {  	p2 =	seq.s32 s10, $0x1;
	s10 =	sld [smem:$0x3FB9]  }
0x3d: {  	_ =	shalt  }
0x3e: {  	_ =	shalt  }
0x3f: {  	_ =	shalt  }
0x40: {  	_ =	shalt  }
0x41: {  	_ =	shalt  }
0x42: {  	_ =	shalt  }
0x43: {  	_ =	shalt  }
0x44: {  	_ =	shalt  }
0x45: {  	_ =	shalt  }
0x46: {  	_ =	shalt  }
0x47: {  	_ =	shalt  }
0x48: {  	_ =	shalt  }
0x49: {  	_ =	shalt  }
0x4a: {  	_ =	shalt  }
0x4b: {  	_ =	shalt  }
0x4c: {  	_ =	shalt  }
0x4d: {  	_ =	shalt  }
0x4e: {  	_ =	shalt  }
0x4f: {  	_ =	shalt  }
0x50: {  	_ =	shalt  }
0x51: {  	_ =	shalt  }
0x52: {  	_ =	shalt  }
0x53: {  	_ =	shalt  }
0x54: {  	_ =	shalt  }
0x55: {  	_ =	shalt  }
0x56: {  	_ =	shalt  }
0x57: {  	_ =	shalt  }
0x58: {  	_ =	shalt  }
0x59: {  	_ =	shalt  }
0x5a: {  	_ =	shalt  }
0x5b: {  	_ =	shalt  }
0x5c: {  	_ =	shalt  }
0x5d: {  	_ =	shalt  }
0x5e: {  	_ =	shalt  }
0x5f: {  	_ =	shalt  }
0x60: {  	_ =	shalt  }
0x61: {  	_ =	shalt  }
0x62: {  	_ =	shalt  }
0x63: {  	_ =	shalt  }
0x64: {  	_ =	shalt  }
0x65: {  	_ =	shalt  }
0x66: {  	_ =	shalt  }
0x67: {  	_ =	shalt  }
0x68: {  	_ =	shalt  }
0x69: {  	_ =	shalt  }
0x6a: {  	_ =	shalt  }
0x6b: {  	_ =	shalt  }
0x6c: {  	_ =	shalt  }
0x6d: {  	_ =	shalt  }
0x6e: {  	_ =	shalt  }
0x6f: {  	_ =	shalt  }
0x70: {  	_ =	shalt  }
0x71: {  	_ =	shalt  }
0x72: {  	_ =	shalt  }
0x73: {  	_ =	shalt  }
0x74: {  	_ =	shalt  }
0x75: {  	_ =	shalt  }
0x76: {  	_ =	shalt  }
0x77: {  	_ =	shalt  }
0x78: {  	_ =	shalt  }
0x79: {  	_ =	shalt  }
0x7a: {  	_ =	shalt  }
0x7b: {  	_ =	shalt  }
0x7c: {  	_ =	shalt  }
0x7d: {  	_ =	shalt  }
0x7e: {  	_ =	shalt  }
0x7f: {  	_ =	shalt  }
0x80: {  	_ =	shalt  }
0x81: {  	_ =	shalt  }
0x82: {  	_ =	shalt  }
0x83: {  	_ =	shalt  }
0x84: {  	_ =	shalt  }
0x85: {  	_ =	shalt  }
0x86: {  	_ =	shalt  }
0x87: {  	_ =	shalt  }
.Lfunc_end0:
.L_simem_size_0:
called_computation_lowered:
.L_overlay_start_0:
0x88: {  	s2 =	sld [smem:$0x3FD9]  }
0x89: {  	s3 =	sld [smem:$0x3FFE];
	_ =	sdelay $0x1  }
0x8a: {  	s1 =	srdreg.scid  }
0x8b: {  	s0 =	sand.u32 $0x1, s1  }
0x8c: {  	s14 =	sshll.u32 s0, $0xA;
	s2 =	sadd.s32 s3, s2  }
0x8d: {  	s2 =	sadd.s32 s2, s14  }
0x8e: {  	[smem:$0x3FC5] =	sst s2  }
0x8f: {  	_ = 	snop  }
0x90: {  	s2 =	sld [smem:$0x3FD0];
	_ =	sdelay $0x2  }
0x91: {  	s15 =	simm.s32 $0xA;
	s4 =	simm.s32 $0x10  }
0x92: {  	[smem:s4], [sflag:s15] =	dma.local [hbm:s2], $0x1  }
0x93: {  	_ =	swait.eq [sflag:s15], $0x1  }
0x94: {  	[sflag:s15] =	ssyncset.done $0x0  }
0x95: {  	[sflag:s15] =	ssyncadd.s32 $0xFFFFFFFF  }
0x96: {  	s16 =	sld [smem:$0x10];
	(tm) =	ssettm $0x1  }
0x97: {  	s17 =	sld [smem:$0x3FFB];
	_ =	sdelay $0x3  }
0x98: {  	_ =	strace s17  }
0x99: {  	s3 =	sld [smem:$0x3FFC];
	_ =	sdelay $0x3  }
0x9a: {  	_ =	strace s3  }
0x9b: {  	s3 =	sld [smem:$0x3FFD];
	_ =	sdelay $0x3  }
0x9c: {  	_ =	strace s3  }
0x9d: {  	_ =	strace $0x8FFFFFFF  }
0x9e: {  	s18 =	sld [smem:$0x3FDB];
	_ =	sdelay $0x1  }
0x9f: {  	s19 =	simm.s32 $_scs_section_size  }
0xa0: {  	s5 =	simm.s32 $_size__tile_overlayer_lowered;
	s6 =	simm.s32 $_tile_overlayer_lowered  }
0xa1: {  	s22 =	simm.s32 $0x1BFF;
	s21 =	sshll.u32 s6, $0x1;
	s3 =	sadd.s32 s19, s18  }
0xa2: {  	s7 =	simm.s32 $0x0;
	s20 =	sshll.u32 s5, $0x1;
	s5 =	sadd.s32 s21, s3  }
0xa3: {  	[timem:s7], [sflag:s22] =	dma.local [hbm:s5], s20  }
0xa4: {  	_ =	swait.ge [sflag:s22], s20  }
0xa5: {  	s4 =	ssub.s32 $0x0, s20;
	[sflag:s22] =	ssyncset.done $0x0  }
0xa6: {  	[sflag:s22] =	ssyncadd.s32 s4;
	_ =	sdelay $0x1  }
0xa7: {  	s23 =	simm.s32 $0x1B8B  }
0xa8: {  	_ =	swait.ge [sflag:s23], $0x1  }
0xa9: {  	[sflag:s23] =	ssyncset.done $0x0  }
0xaa: {  	s25 =	simm.s32 $0x1B8E;
	s24 =	sld [smem:$0x3FFE];
	[sflag:s23] =	ssyncadd.s32 $0xFFFFFFFF  }
0xab: {  	s26 =	simm.s32 $execute0_lowered;
	[smem:$0x3FD2] =	sst s25  }
0xac: {  	s5 =	sshll.u32 s26, $0x1;
	_ =	strace $0x80000046;
	[dreg:$0x1] =	wrdreg $0xFFFFFFFF  }
0xad: {  	s28 =	simm.s32 $_size_execute0_lowered;
	s3 =	sadd.s32 s3, s5;
	[dreg:$0x0] =	wrdreg $0x0  }
0xae: {  	s5 =	sshll.u32 s28, $0x1;
	[dreg:$0x2] =	wrdreg s3  }
0xaf: {  	[dreg:$0x3] =	wrdreg s5  }
0xb0: {  	[dreg:$0x4] =	wrdreg $0xC0  }
0xb1: {  	_ =	task [dreg:s7], $0x5FFFF  }
0xb2: {  	[dreg:$0x1] =	wrdreg $0xFFFFFFFF  }
0xb3: {  	[dreg:$0x0] =	wrdreg $0x60  }
0xb4: {  	[dreg:$0x2] =	wrdreg s16  }
0xb5: {  	[dreg:$0x3] =	wrdreg s24  }
0xb6: {  	[dreg:$0x4] =	wrdreg $0x9  }
0xb7: {  	_ =	task.clear_ibuf [dreg:s7], $0x5FFFF;
	_ =	strace $0x90000046  }
0xb8: {  	s29 =	simm.s32 $0x9;
	_ =	strace $0x80000048  }
0xb9: {  	_ =	swait.ge [sflag:s29], $0x1  }
0xba: {  	[sflag:s29] =	ssyncadd.s32 $0xFFFFFFFF  }
0xbb: {  	_ =	strace $0x90000048  }
0xbc: {  	_ =	sfence  }
0xbd: {  	s30 =	sld [smem:$0x0];
	_ =	sdelay $0x2  }
0xbe: {  	s31 =	sshll.u32 s1, $0xD;
	s1 =	sshrl.u32 s1, $0x2  }
0xbf: {  	s3 =	sand.u32 $0x4000, s31;
	s1 =	sadd.s32 s1, s30  }
0xc0: {  	s0 =	sor.u32 s3, s0;
	s1 =	sshll.u32 s1, $0x11  }
0xc1: {  	s0 =	sor.u32 s1, s0  }
0xc2: {  	s0 =	sadd.s32 $0x8F2B, s0  }
0xc3: {  	[sflag:s0] =	ssyncadd.remote.s32 $0x1  }
0xc4: {  	_ =	sfence.sel $0xFFFF  }
0xc5: {  	[dreg:$0x0] =	wrdreg $0xFFFFFFFF;
	(pc) =	sbr.abs _section_cstart, $3  }
0xc6: {  	[dreg:$0x1] =	wrdreg $0xFFFFFFFF  }
0xc7: {  	_ =	task.clear_ibuf [dreg:s7], $0x2FFFF;
	_ =	strace $0x9FFFFFFF  }
0xc8: {  	(tm) =	ssettm $0x7FFFFFFF  }
0xc9: {  	_ =	shalt  }
tec
execute0_lowered:
.L_overlay_start_1:
0x0: {  	(tag) =	ssettag $0x1  }
0x1: {  	s3 =	rddreg [dreg:$0x0]  }
0x2: {  	s4 =	rddreg [dreg:$0x1]  }
0x3: {  	s0 =	rddreg [dreg:$0x2];
	s5 =	srdreg.scid  }
0x4: {  	s1 =	stileid.u32;
	s2 =	simm.s32 $0x0;
	s8 =	simm.s32 $0x1  }
0x5: {  	s9 =	simm.s32 $0x1000;
	s5 =	sand.u32 $0x1, s5;
	s6 =	sshll.u32 s1, $0x1  }
0x6: {  	s10 =	simm.s32 $0x0;
	[smem:$0x7FF] =	sst s2;
	s6 =	sor.u32 s5, s6  }
0x7: {  	_ =	strace $0x80000047;
	s5 =	ssub.s32 $0x2, s5;
	s7 =	sshll.u32 s6, $0x9  }
0x8: {  	s31 =	sshrl.u32 s5, $0x1;
	s6 =	sshll.u32 s6, $0x8;
	s4 =	sadd.s32 s7, s4  }
0x9: {  	s5 =	ssub.s32 s5, s31;
	s3 =	sadd.s32 s3, s6;
	s6 =	simm.s32 $0x800  }
0xa: {  	v0 =	vimm.s32 $0x0;
	v1 =	vlaneseq.u32;
	s7 =	simm.s32 $0x10000;
	s4 =	sadd.s32 $0x600, s4;
	s5 =	smax.u32 s5, $0x1  }
.LBB2_1:
0xb: {  	[tilespmem:s2], [sflag:$0x1] =	stream.strided.gather [hbm4b:s3+s6], $0x1000, s7, s6, $0x38;
	[tilespmem:$0x2000] =	vst v63  }
0xc: {  	_ =	swait.ge [sflag:s8], $0x1000  }
0xd: {  	s11 =	sand.u32 $0x70, s2;
	s12 =	sand.u32 $0x400, s2;
	[sflag:s8] =	ssyncset.done $0x0  }
0xe: {  	s11 =	sor.u32 s11, s12;
	[sflag:s8] =	ssyncadd.s32 $0xFFFFF000  }
0xf: {  	v2 =	vld [tilespmem:s11+$0x0]  }
0x10: {  	v3 =	vld [tilespmem:s11+$0x80];
	_ =	sdelay $0x3  }
0x11: {  	v4 =	vld [tilespmem:s11+$0x100];
	vm0 =	vgt.f32 v2, $-Inf  }
0x12: {  	vm1 =	vgt.f32 v3, $-Inf;
	v2 =	vnsel vm0, $0xFF800000, v2;
	vm0 =	vlt.f32 v3, $-Inf  }
0x13: {  	vm2 =	vgt.f32 v3, v2;
	vm4 =	vmor vm1, vm0  }
0x14: {  	v5 =	vld [tilespmem:s11+$0x180];
	vm5 =	vmneg vm2;
	v6 =	vnsel vm4, $0xFF800000, v3  }
0x15: {  	v6 =	vsel vm5, v6, v2  }
0x16: {  	v2 =	vsel vm5, v2, v3;
	vm10 =	vgt.f32 v4, v6  }
0x17: {  	v3 =	vld [tilespmem:s11+$0x200];
	vm7 =	vgt.f32 v4, v2;
	v6 =	vsel vm10, v4, v6  }
0x18: {  	v6 =	vsel vm7, v2, v6  }
0x19: {  	v2 =	vsel vm7, v4, v2;
	vm8 =	vgt.f32 v5, v6  }
0x1a: {  	v4 =	vld [tilespmem:s11+$0x280];
	vm6 =	vgt.f32 v5, v2;
	v6 =	vsel vm8, v5, v6  }
0x1b: {  	v6 =	vsel vm6, v2, v6  }
0x1c: {  	v2 =	vsel vm6, v5, v2;
	vm9 =	vgt.f32 v3, v6  }
0x1d: {  	v5 =	vld [tilespmem:s11+$0x300];
	vm1 =	vgt.f32 v3, v2;
	v6 =	vsel vm9, v3, v6  }
0x1e: {  	s31 =	sor.u32 s2, s2;
	v6 =	vsel vm1, v2, v6  }
0x1f: {  	s12 =	sor.u32 $0x380, s31;
	v2 =	vsel vm1, v3, v2;
	vm3 =	vgt.f32 v4, v6  }
0x20: {  	v3 =	vld [tilespmem:s12+$0x0];
	vm0 =	vgt.f32 v4, v2;
	v6 =	vsel vm3, v4, v6  }
0x21: {  	v6 =	vsel vm0, v2, v6  }
0x22: {  	vm4 =	vmand vm4, vm5;
	v2 =	vsel vm0, v4, v2;
	vm5 =	vgt.f32 v5, v6  }
0x23: {  	v7 =	vld [tilespmem:s11+$0x800];
	v4 =	vsel vm4, $0x1, v0;
	vm4 =	vgt.f32 v5, v2;
	v6 =	vsel vm5, v5, v6  }
0x24: {  	v8 =	vsel vm2, $0x1, v0;
	v4 =	vsel vm10, $0x2, v4;
	v6 =	vsel vm4, v2, v6  }
0x25: {  	v4 =	vsel vm7, v8, v4;
	v2 =	vsel vm4, v5, v2;
	vm10 =	vgt.f32 v3, v6  }
0x26: {  	v5 =	vsel vm7, $0x2, v8;
	v8 =	vld [tilespmem:s11+$0x880];
	vm2 =	vgt.f32 v3, v2;
	v6 =	vsel vm10, v3, v6  }
0x27: {  	v4 =	vsel vm8, $0x3, v4;
	v9 =	vsel vm6, $0x3, v5;
	v6 =	vsel vm2, v2, v6  }
0x28: {  	v4 =	vsel vm6, v5, v4;
	v2 =	vsel vm2, v3, v2;
	vm7 =	vgt.f32 v7, v6  }
0x29: {  	v5 =	vld [tilespmem:s11+$0x900];
	v3 =	vsel vm9, $0x4, v4;
	vm6 =	vgt.f32 v7, v2;
	v4 =	vsel vm7, v7, v6  }
0x2a: {  	v3 =	vsel vm1, v9, v3;
	v6 =	vsel vm1, $0x4, v9;
	v4 =	vsel vm6, v2, v4  }
0x2b: {  	v3 =	vsel vm3, $0x5, v3;
	v2 =	vsel vm6, v7, v2;
	vm8 =	vgt.f32 v8, v4  }
0x2c: {  	v9 =	vsel vm0, $0x5, v6;
	v7 =	vld [tilespmem:s11+$0x980];
	vm1 =	vgt.f32 v8, v2;
	v4 =	vsel vm8, v8, v4  }
0x2d: {  	v3 =	vsel vm0, v6, v3;
	v10 =	vsel vm4, $0x6, v9;
	v4 =	vsel vm1, v2, v4  }
0x2e: {  	v3 =	vsel vm5, $0x6, v3;
	v2 =	vsel vm1, v8, v2;
	vm5 =	vgt.f32 v5, v4  }
0x2f: {  	v6 =	vld [tilespmem:s11+$0xA00];
	v3 =	vsel vm4, v9, v3;
	vm3 =	vgt.f32 v5, v2;
	v4 =	vsel vm5, v5, v4  }
0x30: {  	v8 =	vsel vm2, $0x7, v10;
	v3 =	vsel vm10, $0x7, v3;
	v4 =	vsel vm3, v2, v4  }
0x31: {  	v3 =	vsel vm2, v10, v3;
	v2 =	vsel vm3, v5, v2;
	vm2 =	vgt.f32 v7, v4  }
0x32: {  	v3 =	vsel vm7, $0x8, v3;
	v5 =	vld [tilespmem:s11+$0xA80];
	vm0 =	vgt.f32 v7, v2;
	v4 =	vsel vm2, v7, v4  }
0x33: {  	v3 =	vsel vm6, v8, v3;
	v4 =	vsel vm0, v2, v4  }
0x34: {  	v8 =	vsel vm6, $0x8, v8;
	v2 =	vsel vm0, v7, v2;
	vm4 =	vgt.f32 v6, v4  }
0x35: {  	v3 =	vsel vm8, $0x9, v3;
	v7 =	vld [tilespmem:s11+$0xB00];
	vm6 =	vgt.f32 v6, v2;
	v4 =	vsel vm4, v6, v4  }
0x36: {  	v3 =	vsel vm1, v8, v3;
	v4 =	vsel vm6, v2, v4  }
0x37: {  	v8 =	vsel vm1, $0x9, v8;
	v2 =	vsel vm6, v6, v2;
	vm1 =	vgt.f32 v5, v4  }
0x38: {  	v3 =	vsel vm5, $0xA, v3;
	v6 =	vld [tilespmem:s11+$0xB80];
	vm5 =	vgt.f32 v5, v2;
	v4 =	vsel vm1, v5, v4  }
0x39: {  	v3 =	vsel vm3, v8, v3;
	v4 =	vsel vm5, v2, v4  }
0x3a: {  	v8 =	vsel vm3, $0xA, v8;
	v2 =	vsel vm5, v5, v2;
	vm3 =	vgt.f32 v7, v4  }
0x3b: {  	v3 =	vsel vm2, $0xB, v3;
	vm2 =	vgt.f32 v7, v2;
	v4 =	vsel vm3, v7, v4  }
0x3c: {  	v3 =	vsel vm0, v8, v3;
	v4 =	vsel vm2, v2, v4  }
0x3d: {  	v3 =	vsel vm4, $0xC, v3;
	v2 =	vsel vm2, v7, v2;
	vm4 =	vgt.f32 v6, v4  }
0x3e: {  	v5 =	vsel vm0, $0xB, v8;
	vm0 =	vgt.f32 v6, v2;
	v4 =	vsel vm4, v6, v4  }
0x3f: {  	v4 =	vsel vm0, v2, v4;
	v2 =	vsel vm0, v6, v2  }
0x40: {  	v3 =	vsel vm6, v5, v3;
	v2 =	vsub.f32 v4, v2  }
0x41: {  	v5 =	vsel vm6, $0xC, v5;
	v3 =	vsel vm1, $0xD, v3  }
0x42: {  	v3 =	vsel vm5, v5, v3;
	v2 =	vmul.f32 $1.442695020e+00, v2  }
0x43: {  	v3 =	vsel vm3, $0xE, v3;
	v4 =	vsel vm5, $0xD, v5  }
0x44: {  	v3 =	vsel vm2, v4, v3;
	v4 =	vsel vm2, $0xE, v4;
	(erf) = vpow2.f32 v2  }
0x45: {  	v8 =	vsel vm0, $0xF, v4  }
0x46: {  	v20 =	vbroadcast v8, $0x4  }
0x47: {  	v22 =	vbroadcast v8, $0xC;
	v23 =	vbroadcast v8, $0x6  }
0x48: {  	v15 =	vbroadcast v8, $0xA;
	v25 =	vbroadcast v8, $0xD  }
0x49: {  	v26 =	vbroadcast v8, $0xE;
	v11 =	vbroadcast v8, $0x8  }
0x4a: {  	v12 =	vbroadcast v8, $0x7;
	v16 =	vbroadcast v8, $0x2  }
0x4b: {  	v3 =	vsel vm4, $0xF, v3;
	v28 =	vbroadcast v8, $0x5;
	v29 =	vbroadcast v8, $0x3  }
0x4c: {  	v7 =	vsel vm0, v4, v3;
	v31 =	vbroadcast v8, $0x9;
	v32 =	vbroadcast v8, $0xB  }
0x4d: {  	v2 =	vbroadcast v7, $0xC;
	v33 =	vbroadcast v7, $0x9;
	v14 =	vpop (erf)  }
0x4e: {  	v4 =	vbroadcast v8, $0xF;
	v34 =	vbroadcast v7, $0xB;
	v3 =	vadd.f32 $1.000000000e+00, v14  }
0x4f: {  	vm11 =	veq.s32 v2, v1;
	v2 =	vbroadcast v8, $0x0;
	vm0 =	veq.s32 v33, v1  }
0x50: {  	(erf) = vrcp.f32 v3;
	v3 =	vbroadcast v8, $0x1;
	v8 =	vimm.s32 $0x0  }
0x51: {  	v8 =	vsel vm0, $0xFFFFFFFF, v8  }
0x52: {  	vm0 =	veq.s32 v34, v1;
	[tilespmem:$0x1FF60] =	vst v8;
	v8 =	vimm.s32 $0x0  }
0x53: {  	v8 =	vsel vm0, $0xFFFFFFFF, v8  }
0x54: {  	vm0 =	veq.s32 v29, v1;
	[tilespmem:$0x1FF70] =	vst v8;
	v8 =	vimm.s32 $0x0  }
0x55: {  	v8 =	vsel vm0, $0xFFFFFFFF, v8  }
0x56: {  	vm0 =	veq.s32 v31, v1;
	[tilespmem:$0x1FF80] =	vst v8;
	v8 =	vimm.s32 $0x0  }
0x57: {  	v8 =	vsel vm0, $0xFFFFFFFF, v8  }
0x58: {  	v27 =	vbroadcast v7, $0x3;
	vm0 =	veq.s32 v32, v1;
	[tilespmem:$0x1FF90] =	vst v8;
	v8 =	vimm.s32 $0x0  }
0x59: {  	v8 =	vsel vm0, $0xFFFFFFFF, v8  }
0x5a: {  	vm0 =	veq.s32 v27, v1;
	[tilespmem:$0x1FFA0] =	vst v8;
	v8 =	vimm.s32 $0x0  }
0x5b: {  	v10 =	vbroadcast v7, $0xE;
	v8 =	vsel vm0, $0xFFFFFFFF, v8  }
0x5c: {  	v30 =	vbroadcast v7, $0x5;
	vm0 =	veq.s32 v28, v1;
	[tilespmem:$0x1FFB0] =	vst v8;
	v8 =	vimm.s32 $0x0  }
0x5d: {  	v18 =	vbroadcast v7, $0x4;
	v19 =	vbroadcast v7, $0xD;
	v8 =	vsel vm0, $0xFFFFFFFF, v8  }
0x5e: {  	v21 =	vbroadcast v7, $0x6;
	vm0 =	veq.s32 v30, v1;
	[tilespmem:$0x1FFC0] =	vst v8;
	v8 =	vimm.s32 $0x0  }
0x5f: {  	v24 =	vbroadcast v7, $0xA;
	v9 =	vbroadcast v7, $0x7;
	v8 =	vsel vm0, $0xFFFFFFFF, v8  }
0x60: {  	v17 =	vbroadcast v7, $0x2;
	vm0 =	veq.s32 v16, v1;
	[tilespmem:$0x1FFD0] =	vst v8;
	v8 =	vimm.s32 $0x0  }
0x61: {  	v13 =	vbroadcast v7, $0x8;
	v6 =	vbroadcast v7, $0xF;
	v8 =	vsel vm0, $0xFFFFFFFF, v8  }
0x62: {  	v5 =	vbroadcast v7, $0x1;
	vm0 =	veq.s32 v17, v1;
	[tilespmem:$0x1FFE0] =	vst v8;
	v8 =	vimm.s32 $0x0  }
0x63: {  	v7 =	vbroadcast v7, $0x0;
	vm10 =	veq.s32 v12, v1;
	v8 =	vsel vm0, $0xFFFFFFFF, v8  }
0x64: {  	vm12 =	veq.s32 v11, v1;
	vm15 =	veq.s32 v25, v1;
	vm1 =	veq.s32 v26, v1  }
0x65: {  	vm2 =	veq.s32 v23, v1;
	vm4 =	veq.s32 v22, v1;
	vm6 =	veq.s32 v20, v1  }
0x66: {  	vm14 =	veq.s32 v9, v1;
	vm13 =	veq.s32 v13, v1;
	vm3 =	veq.s32 v24, v1;
	[tilespmem:$0x1FFF0] =	vst v8;
	v8 =	vpop (erf)  }
0x67: {  	vm5 =	veq.s32 v21, v1;
	v9 =	vmul.f32 v8, v14;
	v14 =	vbroadcast v8, $0x2  }
0x68: {  	vm7 =	veq.s32 v19, v1;
	v11 =	vbroadcast v8, $0x9;
	v12 =	vbroadcast v8, $0xB  }
0x69: {  	s13 =	simm.s32 $0x10;
	vm0 =	veq.s32 v15, v1;
	v13 =	vbroadcast v8, $0x3;
	v15 =	vbroadcast v8, $0x5  }
0x6a: {  	s14 =	simm.s32 $0x0;
	s12 =	simm.s32 $0x1080;
	s11 =	simm.s32 $0x1080;
	vm8 =	veq.s32 v18, v1;
	v16 =	vbroadcast v9, $0xC;
	v17 =	vbroadcast v9, $0xE  }
.LBB2_2:
0x6b: {  	v23 =	vbroadcast v8, $0xC  }
0x6c: {  	v16 =	vnsel vm11, $0x0, v16  }
0x6d: {  	v16 =	vsel vm4, v23, v16  }
0x6e: {  	vm9 =	veq.s32 v10, v1;
	[tilespmem:s11+$0x40] =	vst v16;
	v16 =	vbroadcast v8, $0xE  }
0x6f: {  	v17 =	vnsel vm9, $0x0, v17  }
0x70: {  	v16 =	vsel vm1, v16, v17  }
0x71: {  	[tilespmem:s11+$0x60] =	vst v16;
	v16 =	vld [tilespmem:$0x1FFF0]  }
0x72: {  	v55 =	vld [tilespmem:$0x1FFE0]  }
0x73: {  	v18 =	vbroadcast v9, $0x4;
	v22 =	vbroadcast v9, $0xA  }
0x74: {  	v21 =	vbroadcast v8, $0x4;
	v48 =	vbroadcast v8, $0xA  }
0x75: {  	v50 =	vbroadcast v9, $0x2;
	v18 =	vnsel vm8, $0x0, v18;
	v22 =	vnsel vm3, $0x0, v22  }
0x76: {  	v18 =	vsel vm6, v21, v18;
	v21 =	vsel vm0, v48, v22;
	vm0 =	vnez.u8 v16  }
0x77: {  	v16 =	vnsel vm0, $0x0, v50;
	vm0 =	vnez.u8 v55  }
0x78: {  	v14 =	vsel vm0, v14, v16;
	v16 =	vld [tilespmem:$0x1FFB0]  }
0x79: {  	v56 =	vld [tilespmem:$0x1FFD0];
	v10 =	vbroadcast v9, $0x6;
	[tilespmem:s11+$0xFFFFFFC0] =	vst v18  }
0x7a: {  	v18 =	vbroadcast v8, $0x6;
	[tilespmem:s11+$0xFFFFFFA0] =	vst v14;
	v14 =	vld [tilespmem:$0x1FFC0]  }
0x7b: {  	v20 =	vbroadcast v8, $0x8;
	v10 =	vnsel vm5, $0x0, v10  }
0x7c: {  	v51 =	vbroadcast v9, $0x3;
	v10 =	vsel vm2, v18, v10;
	v18 =	vbroadcast v9, $0x8  }
0x7d: {  	v24 =	vbroadcast v9, $0x7;
	v52 =	vbroadcast v9, $0x5;
	vm0 =	vnez.u8 v16  }
0x7e: {  	v18 =	vnsel vm13, $0x0, v18;
	v16 =	vnsel vm0, $0x0, v51;
	vm0 =	vnez.u8 v56  }
0x7f: {  	v18 =	vsel vm12, v20, v18;
	v20 =	vnsel vm0, $0x0, v52;
	vm0 =	vnez.u8 v14  }
0x80: {  	v49 =	vbroadcast v8, $0x7;
	[tilespmem:s11+$0xFFFFFFE0] =	vst v10;
	v14 =	vsel vm0, v15, v20;
	v15 =	vld [tilespmem:$0x1FF60]  }
0x81: {  	v10 =	vnsel vm14, $0x0, v24;
	[tilespmem:s11+$0x0] =	vst v18;
	v18 =	vld [tilespmem:$0x1FF70]  }
0x82: {  	v57 =	vld [tilespmem:$0x1FF80];
	v10 =	vsel vm10, v49, v10  }
0x83: {  	[tilespmem:s11+$0xFFFFFFF0] =	vst v10;
	v10 =	vld [tilespmem:$0x1FF90]  }
0x84: {  	v53 =	vbroadcast v9, $0x9  }
0x85: {  	v54 =	vbroadcast v9, $0xB;
	vm0 =	vnez.u8 v15  }
0x86: {  	v19 =	vbroadcast v9, $0xD;
	v15 =	vnsel vm0, $0x0, v53;
	vm0 =	vnez.u8 v18  }
0x87: {  	v25 =	vbroadcast v8, $0xD;
	v18 =	vnsel vm0, $0x0, v54;
	vm0 =	vnez.u8 v57  }
0x88: {  	v19 =	vnsel vm7, $0x0, v19;
	v13 =	vsel vm0, v13, v16;
	vm0 =	vnez.u8 v10  }
0x89: {  	v19 =	vsel vm15, v25, v19;
	v10 =	vsel vm0, v11, v15;
	v11 =	vld [tilespmem:$0x1FFA0]  }
0x8a: {  	[tilespmem:s11+$0x50] =	vst v19;
	v19 =	vbroadcast v9, $0xF  }
0x8b: {  	vm1 =	veq.s32 v6, v1;
	v6 =	vbroadcast v8, $0xF  }
0x8c: {  	vm2 =	veq.s32 v4, v1;
	v4 =	vnsel vm1, $0x0, v19  }
0x8d: {  	[tilespmem:s11+$0x20] =	vst v21;
	v4 =	vsel vm2, v6, v4  }
0x8e: {  	[tilespmem:s11+$0x70] =	vst v4;
	vm0 =	vnez.u8 v11  }
0x8f: {  	[tilespmem:s11+$0xFFFFFFD0] =	vst v14;
	v11 =	vsel vm0, v12, v18;
	vm0 =	veq.s32 v7, v1;
	v7 =	vbroadcast v9, $0x1  }
0x90: {  	v17 =	vbroadcast v9, $0x0;
	vm1 =	veq.s32 v5, v1;
	v5 =	vbroadcast v8, $0x1;
	[tilespmem:s11+$0xFFFFFFB0] =	vst v13  }
0x91: {  	v6 =	vbroadcast v8, $0x0;
	vm2 =	veq.s32 v3, v1;
	[tilespmem:s11+$0x10] =	vst v10;
	v3 =	vnsel vm1, $0x0, v7  }
0x92: {  	s14 =	sadd.s32 $0x80, s14;
	s16 =	smov.u32 s13;
	[tilespmem:s11+$0x30] =	vst v11;
	vm1 =	veq.s32 v2, v1;
	v2 =	vnsel vm0, $0x0, v17;
	v3 =	vsel vm2, v5, v3  }
0x93: {  	s15 =	sand.u32 $0x70, s16;
	s17 =	sand.u32 $0x400, s14;
	v2 =	vsel vm1, v6, v2;
	[tilespmem:s11+$0xFFFFFF90] =	vst v3  }
0x94: {  	s15 =	sor.u32 s15, s17;
	[tilespmem:s11+$0xFFFFFF80] =	vst v2  }
0x95: {  	v2 =	vld [tilespmem:s15+$0x0]  }
0x96: {  	v3 =	vld [tilespmem:s15+$0x80];
	_ =	sdelay $0x3  }
0x97: {  	v4 =	vld [tilespmem:s15+$0x100];
	vm0 =	vgt.f32 v2, $-Inf  }
0x98: {  	vm1 =	vgt.f32 v3, $-Inf;
	v2 =	vnsel vm0, $0xFF800000, v2;
	vm0 =	vlt.f32 v3, $-Inf  }
0x99: {  	vm2 =	vgt.f32 v3, v2;
	vm0 =	vmor vm1, vm0  }
0x9a: {  	v5 =	vld [tilespmem:s15+$0x180];
	vm1 =	vmneg vm2;
	v6 =	vnsel vm0, $0xFF800000, v3  }
0x9b: {  	v7 =	vsel vm2, $0x1, v0;
	v6 =	vsel vm1, v6, v2  }
0x9c: {  	vm0 =	vmand vm0, vm1;
	v2 =	vsel vm1, v2, v3;
	vm1 =	vgt.f32 v4, v6  }
0x9d: {  	v3 =	vld [tilespmem:s15+$0x200];
	v8 =	vsel vm0, $0x1, v0;
	vm0 =	vgt.f32 v4, v2;
	v6 =	vsel vm1, v4, v6  }
0x9e: {  	v8 =	vsel vm1, $0x2, v8;
	v4 =	vsel vm0, v4, v2;
	v2 =	vsel vm0, v2, v6  }
0x9f: {  	v8 =	vsel vm0, v7, v8;
	vm1 =	vgt.f32 v5, v2  }
0xa0: {  	v6 =	vld [tilespmem:s15+$0x280];
	v7 =	vsel vm0, $0x2, v7;
	vm0 =	vgt.f32 v5, v4;
	v2 =	vsel vm1, v5, v2  }
0xa1: {  	v8 =	vsel vm1, $0x3, v8;
	v5 =	vsel vm0, v5, v4;
	v2 =	vsel vm0, v4, v2  }
0xa2: {  	v4 =	vsel vm0, $0x3, v7;
	vm1 =	vgt.f32 v3, v5;
	vm2 =	vgt.f32 v3, v2  }
0xa3: {  	v9 =	vld [tilespmem:s15+$0x300];
	v7 =	vsel vm0, v7, v8;
	v10 =	vsel vm1, $0x4, v4;
	v2 =	vsel vm2, v3, v2  }
0xa4: {  	s16 =	sor.u32 s14, s16;
	v11 =	vsel vm1, v3, v5;
	v7 =	vsel vm2, $0x4, v7;
	v2 =	vsel vm1, v5, v2  }
0xa5: {  	s16 =	sor.u32 $0x380, s16;
	vm0 =	vgt.f32 v6, v11;
	v4 =	vsel vm1, v4, v7;
	vm1 =	vgt.f32 v6, v2  }
0xa6: {  	v3 =	vld [tilespmem:s16+$0x0];
	v5 =	vsel vm0, v6, v11;
	v2 =	vsel vm1, v6, v2  }
0xa7: {  	v7 =	vsel vm0, $0x5, v10;
	v4 =	vsel vm1, $0x5, v4;
	v2 =	vsel vm0, v11, v2  }
0xa8: {  	vm1 =	vgt.f32 v9, v5;
	v4 =	vsel vm0, v10, v4;
	vm0 =	vgt.f32 v9, v2  }
0xa9: {  	v8 =	vld [tilespmem:s15+$0x800];
	v6 =	vsel vm1, $0x6, v7;
	v2 =	vsel vm0, v9, v2  }
0xaa: {  	v11 =	vsel vm1, v9, v5;
	v4 =	vsel vm0, $0x6, v4;
	v2 =	vsel vm1, v5, v2  }
0xab: {  	vm2 =	vgt.f32 v3, v11;
	v4 =	vsel vm1, v7, v4;
	vm1 =	vgt.f32 v3, v2  }
0xac: {  	v10 =	vsel vm2, v3, v11;
	v2 =	vsel vm1, v3, v2;
	v3 =	vld [tilespmem:s15+$0x880]  }
0xad: {  	v2 =	vsel vm2, v11, v2  }
0xae: {  	v9 =	vsel vm2, $0x7, v6;
	v4 =	vsel vm1, $0x7, v4;
	vm1 =	vgt.f32 v8, v2  }
0xaf: {  	vm0 =	vgt.f32 v8, v10;
	v4 =	vsel vm2, v6, v4;
	v6 =	vld [tilespmem:s15+$0x900];
	v2 =	vsel vm1, v8, v2  }
0xb0: {  	v5 =	vsel vm0, v8, v10;
	v4 =	vsel vm1, $0x8, v4;
	v2 =	vsel vm0, v10, v2  }
0xb1: {  	v7 =	vsel vm0, $0x8, v9;
	v4 =	vsel vm0, v9, v4;
	vm0 =	vgt.f32 v3, v2  }
0xb2: {  	v8 =	vld [tilespmem:s15+$0x980];
	vm1 =	vgt.f32 v3, v5;
	v2 =	vsel vm0, v3, v2  }
0xb3: {  	v4 =	vsel vm0, $0x9, v4;
	v2 =	vsel vm1, v5, v2  }
0xb4: {  	v3 =	vsel vm1, v3, v5;
	v4 =	vsel vm1, v7, v4;
	vm0 =	vgt.f32 v6, v2  }
0xb5: {  	v7 =	vsel vm1, $0x9, v7;
	vm1 =	vgt.f32 v6, v3;
	v5 =	vld [tilespmem:s15+$0xA00];
	v2 =	vsel vm0, v6, v2  }
0xb6: {  	v4 =	vsel vm0, $0xA, v4;
	v2 =	vsel vm1, v3, v2  }
0xb7: {  	v4 =	vsel vm1, v7, v4;
	v3 =	vsel vm1, v6, v3;
	vm0 =	vgt.f32 v8, v2  }
0xb8: {  	v7 =	vsel vm1, $0xA, v7;
	v6 =	vld [tilespmem:s15+$0xA80];
	vm1 =	vgt.f32 v8, v3;
	v2 =	vsel vm0, v8, v2  }
0xb9: {  	v2 =	vsel vm1, v3, v2  }
0xba: {  	v4 =	vsel vm0, $0xB, v4;
	v3 =	vsel vm1, v8, v3;
	vm0 =	vgt.f32 v5, v2  }
0xbb: {  	v8 =	vld [tilespmem:s15+$0xB00];
	vm2 =	vgt.f32 v5, v3;
	v2 =	vsel vm0, v5, v2  }
0xbc: {  	v4 =	vsel vm1, v7, v4;
	v7 =	vsel vm1, $0xB, v7;
	v2 =	vsel vm2, v3, v2  }
0xbd: {  	v4 =	vsel vm0, $0xC, v4;
	v3 =	vsel vm2, v5, v3;
	vm0 =	vgt.f32 v6, v2  }
0xbe: {  	v9 =	vld [tilespmem:s15+$0xB80];
	v4 =	vsel vm2, v7, v4;
	vm1 =	vgt.f32 v6, v3;
	v2 =	vsel vm0, v6, v2  }
0xbf: {  	v5 =	vsel vm2, $0xC, v7;
	v4 =	vsel vm0, $0xD, v4;
	v2 =	vsel vm1, v3, v2  }
0xc0: {  	v3 =	vsel vm1, v6, v3;
	v4 =	vsel vm1, v5, v4;
	vm2 =	vgt.f32 v8, v2  }
0xc1: {  	v5 =	vsel vm1, $0xD, v5;
	vm0 =	vgt.f32 v8, v3;
	v2 =	vsel vm2, v8, v2  }
0xc2: {  	v6 =	vsel vm0, v8, v3;
	v4 =	vsel vm2, $0xE, v4;
	v2 =	vsel vm0, v3, v2  }
0xc3: {  	v3 =	vsel vm0, v5, v4;
	v4 =	vsel vm0, $0xE, v5;
	vm1 =	vgt.f32 v9, v6  }
0xc4: {  	v8 =	vsel vm1, $0xF, v4  }
0xc5: {  	v11 =	vbroadcast v8, $0x4;
	v13 =	vbroadcast v8, $0x6  }
0xc6: {  	v14 =	vbroadcast v8, $0xA;
	v18 =	vbroadcast v8, $0xD  }
0xc7: {  	v19 =	vbroadcast v8, $0xE;
	v59 =	vbroadcast v8, $0x8  }
0xc8: {  	vm0 =	vgt.f32 v9, v2;
	v60 =	vbroadcast v8, $0x7;
	v62 =	vbroadcast v8, $0x2  }
0xc9: {  	v3 =	vsel vm0, $0xF, v3;
	v27 =	vbroadcast v8, $0x5;
	v28 =	vbroadcast v8, $0x3  }
0xca: {  	v2 =	vsel vm0, v9, v2;
	v30 =	vbroadcast v8, $0x9;
	v31 =	vbroadcast v8, $0xB  }
0xcb: {  	v7 =	vsel vm1, v4, v3;
	v2 =	vsel vm1, v6, v2;
	v3 =	vsel vm1, v9, v6  }
0xcc: {  	v9 =	vbroadcast v8, $0xC;
	v4 =	vbroadcast v8, $0xF;
	v2 =	vsub.f32 v2, v3  }
0xcd: {  	v3 =	vbroadcast v7, $0xC;
	v32 =	vbroadcast v7, $0x9  }
0xce: {  	v33 =	vbroadcast v7, $0xB;
	v2 =	vmul.f32 $1.442695020e+00, v2  }
0xcf: {  	vm11 =	veq.s32 v3, v1;
	v3 =	vbroadcast v8, $0x1;
	vm0 =	veq.s32 v32, v1  }
0xd0: {  	(erf) = vpow2.f32 v2;
	v2 =	vbroadcast v8, $0x0;
	v8 =	vimm.s32 $0x0  }
0xd1: {  	v8 =	vsel vm0, $0xFFFFFFFF, v8  }
0xd2: {  	vm0 =	veq.s32 v33, v1;
	[tilespmem:$0x1FF60] =	vst v8;
	v8 =	vimm.s32 $0x0  }
0xd3: {  	v8 =	vsel vm0, $0xFFFFFFFF, v8  }
0xd4: {  	vm0 =	veq.s32 v28, v1;
	[tilespmem:$0x1FF70] =	vst v8;
	v8 =	vimm.s32 $0x0  }
0xd5: {  	v8 =	vsel vm0, $0xFFFFFFFF, v8  }
0xd6: {  	vm0 =	veq.s32 v30, v1;
	[tilespmem:$0x1FF80] =	vst v8;
	v8 =	vimm.s32 $0x0  }
0xd7: {  	v8 =	vsel vm0, $0xFFFFFFFF, v8  }
0xd8: {  	v26 =	vbroadcast v7, $0x3;
	vm0 =	veq.s32 v31, v1;
	[tilespmem:$0x1FF90] =	vst v8;
	v8 =	vimm.s32 $0x0  }
0xd9: {  	v8 =	vsel vm0, $0xFFFFFFFF, v8  }
0xda: {  	v10 =	vbroadcast v7, $0xE;
	v34 =	vpop (erf);
	vm0 =	veq.s32 v26, v1;
	[tilespmem:$0x1FFA0] =	vst v8;
	v8 =	vimm.s32 $0x0  }
0xdb: {  	v15 =	vbroadcast v7, $0x4;
	v35 =	vadd.f32 $1.000000000e+00, v34;
	v8 =	vsel vm0, $0xFFFFFFFF, v8  }
0xdc: {  	v29 =	vbroadcast v7, $0x5;
	vm0 =	veq.s32 v27, v1;
	[tilespmem:$0x1FFB0] =	vst v8;
	v8 =	vimm.s32 $0x0  }
0xdd: {  	v17 =	vbroadcast v7, $0xD;
	(erf) = vrcp.f32 v35;
	v8 =	vsel vm0, $0xFFFFFFFF, v8  }
0xde: {  	v12 =	vbroadcast v7, $0x6;
	vm0 =	veq.s32 v29, v1;
	[tilespmem:$0x1FFC0] =	vst v8;
	v8 =	vimm.s32 $0x0  }
0xdf: {  	v16 =	vbroadcast v7, $0xA;
	v58 =	vbroadcast v7, $0x7;
	v8 =	vsel vm0, $0xFFFFFFFF, v8  }
0xe0: {  	v63 =	vbroadcast v7, $0x2;
	vm0 =	veq.s32 v62, v1;
	[tilespmem:$0x1FFD0] =	vst v8;
	v8 =	vimm.s32 $0x0  }
0xe1: {  	v61 =	vbroadcast v7, $0x8;
	v6 =	vbroadcast v7, $0xF;
	v8 =	vsel vm0, $0xFFFFFFFF, v8  }
0xe2: {  	v5 =	vbroadcast v7, $0x1;
	vm0 =	veq.s32 v63, v1;
	[tilespmem:$0x1FFE0] =	vst v8;
	v8 =	vimm.s32 $0x0  }
0xe3: {  	v7 =	vbroadcast v7, $0x0;
	vm10 =	veq.s32 v60, v1;
	v8 =	vsel vm0, $0xFFFFFFFF, v8  }
0xe4: {  	vm12 =	veq.s32 v59, v1;
	vm15 =	veq.s32 v18, v1;
	vm1 =	veq.s32 v19, v1  }
0xe5: {  	p0 =	sne.s32 s13, $0xF0;
	vm2 =	veq.s32 v13, v1;
	vm6 =	veq.s32 v11, v1;
	vm4 =	veq.s32 v9, v1  }
.Ltmp0:
0xe6: {  	vm14 =	veq.s32 v58, v1;
	vm13 =	veq.s32 v61, v1;
	vm3 =	veq.s32 v16, v1;
	[tilespmem:$0x1FFF0] =	vst v8;
	v8 =	vpop (erf);
	(pc) =	sbr.rel @p0 .LBB2_2-.Ltmp0, $4  }
0xe7: {  	vm0 =	veq.s32 v14, v1;
	v9 =	vmul.f32 v8, v34;
	v14 =	vbroadcast v8, $0x2  }
0xe8: {  	vm5 =	veq.s32 v12, v1;
	v11 =	vbroadcast v8, $0x9;
	v12 =	vbroadcast v8, $0xB  }
0xe9: {  	s12 =	sadd.s32 $0x100, s12;
	vm8 =	veq.s32 v15, v1;
	v13 =	vbroadcast v8, $0x3;
	v15 =	vbroadcast v8, $0x5  }
0xea: {  	s13 =	sadd.s32 $0x10, s13;
	s11 =	smov.u32 s12;
	vm7 =	veq.s32 v17, v1;
	v16 =	vbroadcast v9, $0xC;
	v17 =	vbroadcast v9, $0xE  }
0xeb: {  	v18 =	vbroadcast v9, $0x4  }
0xec: {  	v19 =	vbroadcast v9, $0xD;
	v30 =	vbroadcast v8, $0x4  }
0xed: {  	v20 =	vbroadcast v9, $0x6;
	v31 =	vbroadcast v9, $0xA  }
0xee: {  	v21 =	vbroadcast v8, $0xC;
	v22 =	vbroadcast v8, $0x6  }
0xef: {  	v23 =	vbroadcast v9, $0x7;
	v32 =	vbroadcast v8, $0xA  }
0xf0: {  	v34 =	vbroadcast v8, $0xE;
	v35 =	vbroadcast v9, $0x8  }
0xf1: {  	v36 =	vbroadcast v8, $0xD;
	v37 =	vbroadcast v8, $0x8  }
0xf2: {  	v24 =	vbroadcast v8, $0x7;
	v40 =	vbroadcast v9, $0x2  }
0xf3: {  	v42 =	vbroadcast v9, $0x5;
	v44 =	vbroadcast v9, $0x3  }
0xf4: {  	v45 =	vbroadcast v9, $0x9;
	v48 =	vbroadcast v9, $0xB  }
0xf5: {  	v43 =	vld [tilespmem:$0x1FFF0];
	v54 =	vbroadcast v9, $0x0;
	v55 =	vbroadcast v9, $0xF  }
0xf6: {  	v46 =	vld [tilespmem:$0x1FFE0];
	v58 =	vbroadcast v8, $0xF;
	v59 =	vbroadcast v9, $0x1  }
0xf7: {  	vm9 =	veq.s32 v10, v1;
	v47 =	vld [tilespmem:$0x1FFD0];
	v61 =	vbroadcast v8, $0x1;
	v62 =	vbroadcast v8, $0x0  }
0xf8: {  	v49 =	vld [tilespmem:$0x1FFB0];
	v28 =	vnsel vm11, $0x0, v16;
	v29 =	vnsel vm9, $0x0, v17;
	vm11 =	veq.s32 v6, v1  }
0xf9: {  	v50 =	vld [tilespmem:$0x1FFC0];
	v18 =	vnsel vm8, $0x0, v18;
	v19 =	vnsel vm7, $0x0, v19;
	v10 =	vsel vm4, v21, v28  }
0xfa: {  	v51 =	vld [tilespmem:$0x1FF60];
	v20 =	vnsel vm5, $0x0, v20;
	v33 =	vnsel vm14, $0x0, v23;
	v16 =	vsel vm1, v34, v29;
	[tilespmem:s11+$0x40] =	vst v10  }
0xfb: {  	v52 =	vld [tilespmem:$0x1FF70];
	v38 =	vnsel vm13, $0x0, v35;
	v60 =	vnsel vm11, $0x0, v55;
	v17 =	vsel vm6, v30, v18;
	[tilespmem:s11+$0x60] =	vst v16  }
0xfc: {  	v56 =	vld [tilespmem:$0x1FF90];
	v18 =	vnsel vm3, $0x0, v31;
	v20 =	vsel vm2, v22, v20;
	v39 =	vsel vm15, v36, v19;
	[tilespmem:s11+$0xFFFFFFC0] =	vst v17  }
0xfd: {  	v53 =	vld [tilespmem:$0x1FF80];
	v10 =	vsel vm12, v37, v38;
	v41 =	vsel vm10, v24, v33;
	vm10 =	veq.s32 v7, v1;
	[tilespmem:s11+$0xFFFFFFE0] =	vst v20  }
0xfe: {  	v57 =	vld [tilespmem:$0x1FFA0];
	v18 =	vsel vm0, v32, v18;
	[tilespmem:s11+$0x50] =	vst v39;
	vm12 =	vnez.u8 v43;
	vm13 =	vnez.u8 v46  }
0xff: {  	[tilespmem:s11+$0x0] =	vst v10;
	vm14 =	vnez.u8 v47;
	vm15 =	vnez.u8 v49;
	vm4 =	vnez.u8 v50  }
0x100: {  	[tilespmem:s11+$0xFFFFFFF0] =	vst v41;
	vm5 =	vnez.u8 v51;
	vm6 =	vnez.u8 v52;
	v19 =	vnsel vm12, $0x0, v40  }
0x101: {  	[tilespmem:s11+$0x20] =	vst v18;
	vm8 =	vnez.u8 v56;
	v16 =	vnsel vm5, $0x0, v45;
	v14 =	vsel vm13, v14, v19  }
0x102: {  	vm7 =	vnez.u8 v53;
	v17 =	vnsel vm14, $0x0, v42;
	v11 =	vsel vm8, v11, v16;
	[tilespmem:s11+$0xFFFFFFA0] =	vst v14  }
0x103: {  	vm9 =	vnez.u8 v57;
	v10 =	vnsel vm6, $0x0, v48;
	v15 =	vsel vm4, v15, v17;
	[tilespmem:s11+$0x10] =	vst v11  }
0x104: {  	vm12 =	veq.s32 v4, v1;
	vm14 =	veq.s32 v3, v1;
	v10 =	vsel vm9, v12, v10;
	[tilespmem:s11+$0xFFFFFFD0] =	vst v15  }
0x105: {  	v3 =	vnsel vm10, $0x0, v54;
	v19 =	vnsel vm15, $0x0, v44;
	v4 =	vsel vm12, v58, v60;
	[tilespmem:s11+$0x30] =	vst v10  }
0x106: {  	vm13 =	veq.s32 v5, v1;
	vm15 =	veq.s32 v2, v1;
	v13 =	vsel vm7, v13, v19;
	[tilespmem:s11+$0x70] =	vst v4  }
0x107: {  	s10 =	sadd.s32 $0x1, s10;
	v7 =	vnsel vm13, $0x0, v59;
	v2 =	vsel vm15, v62, v3;
	[tilespmem:s11+$0xFFFFFFB0] =	vst v13  }
0x108: {  	p0 =	sne.s32 s10, s5;
	v63 =	vsel vm14, v61, v7;
	[tilespmem:s11+$0xFFFFFF80] =	vst v2  }
.Ltmp1:
0x109: {  	[tilespmem:s11+$0xFFFFFF90] =	vst v63;
	(pc) =	sbr.rel @p0 .LBB2_1-.Ltmp1, $4  }
0x10a: {  	[hbm4b:s4+s2] =	stream.linear.scatter [tilespmem:s9], [sflag:$0x1], $0x1000, $0x38;
	[tilespmem:$0x2000] =	vst v63  }
0x10b: {  	_ =	swait.ge [sflag:s8], $0x1000  }
0x10c: {  	[sflag:s8] =	ssyncset.done $0x0  }
0x10d: {  	[sflag:s8] =	ssyncadd.s32 $0xFFFFF000  }
0x10e: {  	_ =	sfence.sel $0x180000  }
0x10f: {  	[bflag:$0x0] =	sbarrier.arrive $0xFFFF  }
0x110: {  	p0 =	sne.s32 s1, $0x0;
	_ =	strace $0x90000047  }
0x111: {  	s0 =	sadd.s32 @!p0 $0x100000, s0;
	[bflag:$0x2] =	sbarrier.arrive $0xFFFF  }
0x112: {  	[sflag:s0] =	ssyncadd.tile.s32 @!p0 $0x1;
	_ =	shalt  }
.Lfunc_end2:
_tile_overlayer_lowered:
.L_overlay_start_2:
0x113: {  	(tag) =	ssettag $0x2  }
0x114: {  	s0 =	rddreg [dreg:$0x0];
	s2 =	stileid.u32  }
0x115: {  	s1 =	rddreg [dreg:$0x1];
	p0 =	sne.s32 s2, $0x0  }
0x116: {  	s3 =	rddreg [dreg:$0x2];
	[bflag:$0x3] =	sbarrier.arrive $0xFFFF;
	s2 =	simm.s32 @!p0 $0x1C01  }
0x117: {  	[timem:s3], [sflag:s2] =	dma.local @!p0 [hbm:s0], s1  }
0x118: {  	s0 =	simm.s32 @!p0 $0x1  }
0x119: {  	_ =	swait.ge @!p0 [sflag:s0], s1  }
0x11a: {  	s1 =	ssub.s32 @!p0 $0x0, s1;
	[sflag:s0] =	ssyncset.done @!p0 $0x0  }
0x11b: {  	[sflag:s0] =	ssyncadd.s32 @!p0 s1  }
0x11c: {  	[bflag:$0x3] =	sbarrier.arrive $0xFFFF  }
0x11d: {  	_ =	shalt  }

</sc_bundles>
